<compile_context>
chip_gen: v7x
topology: tpu7x:2x2x1
jax: 0.10.2.dev20260603
libtpu: 0.0.44.dev20260713+nightly
codegen_flags: <defaults>
</compile_context>

<pallas_src>
import functools
import math

import jax
import jax.numpy as jnp
from jax import lax
from jax.experimental import pallas as pl
from jax.experimental.pallas import tpu as pltpu
from jax.experimental.pallas import tpu_sc as plsc

B = 16
S = 32768
D = 64
K = 16
BLK = 8192
NEG = -1.0e30


def _main_call(slot_feats, slot_mask, W1, b1r, W2, b2r, q):
    T = S // BLK
    rows = S // 128
    tile_rows = BLK // 128

    def body(x_ref, mask_ref, w1_ref, b1_ref, w2_ref, b2_ref, q_ref,
             scores_ref, ctx_ref,
             acc_ref, m_ref, l_ref):
        t = pl.program_id(1)

        x = x_ref[0]
        h1 = jax.lax.dot_general(x, w1_ref[...], (((1,), (0,)), ((), ())),
                                 preferred_element_type=jnp.float32)
        h1 = jnp.maximum(h1 + b1_ref[0, :], 0.0)
        h = jax.lax.dot_general(h1, w2_ref[...], (((1,), (0,)), ((), ())),
                                preferred_element_type=jnp.float32)
        h = h + b2_ref[0, :]

        ht = h.T
        shl = jax.lax.dot_general(q_ref[...], ht, (((1,), (0,)), ((), ())),
                                  preferred_element_type=jnp.float32)
        scale = 1.0 / math.sqrt(D)
        s2 = (shl[0:1, :] * scale + shl[1:2, :] * scale) * 0.5
        sm = jnp.where(mask_ref[0] > 0.5, s2, NEG)

        scores_ref[0] = sm.reshape(tile_rows, 128)

        @pl.when(t == 0)
        def _():
            m_ref[0] = NEG
            l_ref[0] = 0.0
            acc_ref[...] = jnp.zeros_like(acc_ref)

        m_prev = m_ref[0]
        m_new = jnp.maximum(m_prev, jnp.max(sm))
        corr = jnp.exp(m_prev - m_new)
        p = jnp.exp(sm - m_new)
        l_ref[0] = l_ref[0] * corr + jnp.sum(p)
        acc_ref[...] = acc_ref[...] * corr + jax.lax.dot_general(
            p, h, (((1,), (0,)), ((), ())), preferred_element_type=jnp.float32)
        m_ref[0] = m_new

        @pl.when(t == T - 1)
        def _():
            ctx_ref[0] = acc_ref[...] / l_ref[0]

    return pl.pallas_call(
        body,
        grid=(B, T),
        in_specs=[
            pl.BlockSpec((1, BLK, D), lambda b, t: (b, t, 0)),
            pl.BlockSpec((1, 1, BLK), lambda b, t: (b * T + t, 0, 0)),
            pl.BlockSpec((D, D), lambda b, t: (0, 0)),
            pl.BlockSpec((1, D), lambda b, t: (0, 0)),
            pl.BlockSpec((D, D), lambda b, t: (0, 0)),
            pl.BlockSpec((1, D), lambda b, t: (0, 0)),
            pl.BlockSpec((2, D), lambda b, t: (0, 0)),
        ],
        out_specs=[
            pl.BlockSpec((1, tile_rows, 128), lambda b, t: (b, t, 0)),
            pl.BlockSpec((1, 1, D), lambda b, t: (b, 0, 0)),
        ],
        out_shape=[
            jax.ShapeDtypeStruct((B, rows, 128), jnp.float32),
            jax.ShapeDtypeStruct((B, 1, D), jnp.float32),
        ],
        scratch_shapes=[
            pltpu.VMEM((1, D), jnp.float32),
            pltpu.SMEM((1,), jnp.float32),
            pltpu.SMEM((1,), jnp.float32),
        ],
        compiler_params=pltpu.CompilerParams(
            dimension_semantics=("parallel", "arbitrary")),
    )(slot_feats, slot_mask.reshape(B * T, 1, BLK), W1, b1r, W2, b2r, q)


def _softmax_topk(scores3):
    rows = S // 128
    nb = B // 2

    def body(sb_ref, attn_ref, topk_ref):
        g = pl.program_id(0)
        sb = sb_ref[...]
        m3 = jnp.max(jnp.max(sb, axis=2, keepdims=True), axis=1, keepdims=True)
        p3 = jnp.exp(sb - m3)
        l3 = jnp.sum(jnp.sum(p3, axis=2, keepdims=True), axis=1, keepdims=True)
        attn_ref[...] = p3 / l3

        gidx = (lax.broadcasted_iota(jnp.int32, (1, rows, 128), 1) * 128
                + lax.broadcasted_iota(jnp.int32, (1, rows, 128), 2))
        base3 = (lax.broadcasted_iota(jnp.int32, (nb, 1, 1), 0)
                 + g * nb) * S
        lane_k = lax.broadcasted_iota(jnp.int32, (nb, 1, K), 2)
        idx_acc = jnp.zeros((nb, 1, K), jnp.int32)
        work = sb
        for j in range(K):
            mx = jnp.max(jnp.max(work, axis=2, keepdims=True), axis=1,
                         keepdims=True)
            cand = jnp.where(work == mx, gidx, jnp.int32(S))
            sel = jnp.min(jnp.min(cand, axis=2, keepdims=True), axis=1,
                          keepdims=True)
            idx_acc = jnp.where(lane_k == j, base3 + sel, idx_acc)
            work = jnp.where(gidx == sel, -3.0e38, work)
        topk_ref[...] = idx_acc

    return pl.pallas_call(
        body,
        grid=(2,),
        in_specs=[pl.BlockSpec((nb, rows, 128), lambda g: (g, 0, 0))],
        out_specs=[
            pl.BlockSpec((nb, rows, 128), lambda g: (g, 0, 0)),
            pl.BlockSpec((nb, 1, K), lambda g: (g, 0, 0)),
        ],
        out_shape=[
            jax.ShapeDtypeStruct((B, rows, 128), jnp.float32),
            jax.ShapeDtypeStruct((B, 1, K), jnp.int32),
        ],
        compiler_params=pltpu.CompilerParams(
            dimension_semantics=("parallel",)),
    )(scores3)


def _sc_gather(feats_pairs, pair_idx):
    info = plsc.get_sparse_core_info()
    nc = info.num_cores
    nw = nc * info.num_subcores
    total = B * K
    per_w = total // nw
    mesh = plsc.VectorSubcoreMesh(core_axis_name="c", subcore_axis_name="s")

    @functools.partial(
        pl.kernel, mesh=mesh,
        out_type=jax.ShapeDtypeStruct((total, 2 * D), jnp.float32),
        scratch_types=[
            pltpu.VMEM((per_w,), jnp.int32),
            pltpu.VMEM((per_w, 2 * D), jnp.float32),
            pltpu.SemaphoreType.DMA,
        ],
    )
    def k(feats_hbm, idx_hbm, out_hbm, idx_v, rows_v, sem):
        wid = lax.axis_index("s") * nc + lax.axis_index("c")
        base = wid * per_w
        pltpu.sync_copy(idx_hbm.at[pl.ds(base, per_w)], idx_v)
        pltpu.async_copy(feats_hbm.at[idx_v], rows_v, sem).wait()
        pltpu.sync_copy(rows_v, out_hbm.at[pl.ds(base, per_w)])

    return k(feats_pairs, pair_idx)


def _sel_mlp(rows2, parity, W1, b1r, W2, b2r):
    n = B * K

    def body(x_ref, par_ref, w1_ref, b1_ref, w2_ref, b2_ref, o_ref):
        xw = x_ref[...]
        par = par_ref[...]
        x = jnp.where(par > 0, xw[:, D:], xw[:, :D])
        h1 = jax.lax.dot_general(x, w1_ref[...], (((1,), (0,)), ((), ())),
                                 preferred_element_type=jnp.float32)
        h1 = jnp.maximum(h1 + b1_ref[0, :], 0.0)
        h = jax.lax.dot_general(h1, w2_ref[...], (((1,), (0,)), ((), ())),
                                preferred_element_type=jnp.float32)
        o_ref[...] = h + b2_ref[0, :]

    return pl.pallas_call(
        body,
        out_shape=jax.ShapeDtypeStruct((n, D), jnp.float32),
    )(rows2, parity, W1, b1r, W2, b2r)


def kernel(slot_feats, slot_mask, W1, b1, W2, b2, q):
    b1r = b1.reshape(1, D)
    b2r = b2.reshape(1, D)
    scores3, ctx3 = _main_call(slot_feats, slot_mask, W1, b1r, W2, b2r, q)
    ctx = ctx3.reshape(B, D)
    attn3, topk = _softmax_topk(scores3)
    attnW = attn3.reshape(B, S)
    gidx = topk.reshape(B * K)
    feats_pairs = slot_feats.reshape(B * S // 2, 2 * D)
    rows2 = _sc_gather(feats_pairs, gidx // 2)
    parity = (gidx % 2).astype(jnp.int32).reshape(B * K, 1)
    sel = _sel_mlp(rows2, parity, W1, b1r, W2, b2r).reshape(B, K, D)
    return (sel, ctx, attnW)

# --- scband reference (transcript-rebuilt; emitter-appended) ---
"""Pipeline reference for scband-ffslot-attention-encoder-11639361372393 (READ-ONLY COPY).

The authoritative reference and input builder live on the scoring server;
editing this copy changes nothing except your own understanding.
"""

import jax, jax.numpy as jnp
import numpy as np

B = 16
S = 32768
D_IN = 64
D_SLOT = 64
N_HEADS = 2
K = 16
TEMPERATURE = 1.0


def setup_inputs(seed: int = 0) -> dict:
    key = jax.random.key(seed)
    ks = jax.random.split(key, 7)
    slot_feats = jax.random.normal(ks[0], (B, S, D_IN), dtype=jnp.float32)
    slot_mask = jax.random.uniform(ks[1], (B, S), dtype=jnp.float32)
    W1 = jax.random.normal(ks[2], (D_IN, D_SLOT), dtype=jnp.float32) * (1.0 / np.sqrt(D_IN))
    b1 = jnp.zeros((D_SLOT,), dtype=jnp.float32)
    W2 = jax.random.normal(ks[3], (D_SLOT, D_SLOT), dtype=jnp.float32) * (1.0 / np.sqrt(D_SLOT))
    b2 = jnp.zeros((D_SLOT,), dtype=jnp.float32)
    q = jax.random.normal(ks[4], (N_HEADS, D_SLOT), dtype=jnp.float32) * 0.1
    return {"slot_feats": slot_feats, "slot_mask": slot_mask, "W1": W1, "b1": b1, "W2": W2, "b2": b2, "q": q}


def reference(slot_feats, slot_mask, W1, b1, W2, b2, q):
    # slot_mlp: Linear -> ReLU -> Linear
    H = jnp.maximum(slot_feats @ W1 + b1, 0.0) @ W2 + b2  # [B, S, d_slot]
    scale = 1.0 / np.sqrt(D_SLOT)
    scores_heads = jnp.einsum('bsd,hd->bsh', H, q) * scale  # [B, S, H]
    scores = scores_heads.mean(axis=-1)  # [B, S]
    mask = slot_mask > 0.5
    # eval mode: no slot dropout
    scores_masked = jnp.where(mask, scores, -jnp.inf)
    all_masked = ~jnp.any(mask, axis=1)  # [B]
    fallback = jnp.zeros_like(scores)
    attn_in = jnp.where(all_masked[:, None], fallback, scores_masked)
    attnW = jax.nn.softmax(attn_in / max(TEMPERATURE, 1e-6), axis=1)  # [B, S]
    ctx = jnp.einsum('bs,bsd->bd', attnW, H)  # [B, d_slot]
    # eval mode: no gumbel noise
    scores_for_topk = scores_masked
    k_eff = min(K, S)
    invalid_rows = jnp.all(jnp.isinf(scores_for_topk), axis=1)
    safe_scores = jnp.where(invalid_rows[:, None], jnp.zeros_like(scores_for_topk), scores_for_topk)
    _, topk_idx = jax.lax.top_k(safe_scores, k_eff)  # [B, k]
    sel = jnp.take_along_axis(H, topk_idx[:, :, None], axis=1)  # [B, k, d_slot]
    return (sel, ctx, attnW)

if __name__ == "__main__":
    import jax
    _d = setup_inputs()
    print(jax.jit(kernel)(*tuple(_d.values())))

</pallas_src>

<mosaic_0001>
#map = affine_map<(d0, d1) -> (0, 0)>
#map1 = affine_map<(d0, d1) -> (0)>
module attributes {stable_mosaic.version = 14 : i64} {
  func.func @k(%arg0: i32, %arg1: i32, %arg2: memref<262144x128xf32, #tpu.memory_space<hbm>>, %arg3: memref<256xi32, #tpu.memory_space<hbm>>, %arg4: memref<256x128xf32, #tpu.memory_space<hbm>>, %arg5: memref<8xi32, #tpu.memory_space<vmem>>, %arg6: memref<8x128xf32, #tpu.memory_space<vmem>>, %arg7: memref<!tpu.dma_semaphore, #tpu.memory_space<semaphore_mem>>) attributes {dimension_semantics = [#tpu.dimension_semantics<core_parallel>, #tpu.dimension_semantics<subcore_parallel>], iteration_bounds = array<i64: 2, 16>, scalar_prefetch = 0 : i64, scratch_operands = 3 : i64, tpu.core_type = #tpu.core_type<sc_vector_subcore>, window_params = [{transform_indices = #map}, {transform_indices = #map1}, {transform_indices = #map}]} {
    %mul3A = arith.constant 2 : i32
    %mul3A_0 = arith.muli %arg1, %mul3A : i32
    %add3A = arith.addi %mul3A_0, %arg0 : i32
    %mul3A_1 = arith.constant 8 : i32
    %mul3A_2 = arith.muli %add3A, %mul3A_1 : i32
    "tpu.region"() ({
      %run_scoped3A = tpu.sem_alloc : memref<!tpu.dma_semaphore, #tpu.memory_space<semaphore_mem>>
      %dma_start3A_7 = tpu.memref_slice %arg3[%mul3A_2] : memref<256xi32, #tpu.memory_space<hbm>> -> memref<8xi32, #tpu.memory_space<hbm>>
      %dma_start3A_8 = tpu.memref_slice %arg3[%mul3A_2] : memref<256xi32, #tpu.memory_space<hbm>> -> memref<8xi32, #tpu.memory_space<hbm>>
      tpu.enqueue_dma source(%dma_start3A_8 : memref<8xi32, #tpu.memory_space<hbm>>) target(%arg5 : memref<8xi32, #tpu.memory_space<vmem>>) target_semaphore(%run_scoped3A : memref<!tpu.dma_semaphore, #tpu.memory_space<semaphore_mem>>)
      %dma_wait3A_9 = tpu.memref_slice %arg3[%mul3A_2] : memref<256xi32, #tpu.memory_space<hbm>> -> memref<8xi32, #tpu.memory_space<hbm>>
      %dma_wait3A_10 = tpu.memref_slice %arg3[%mul3A_2] : memref<256xi32, #tpu.memory_space<hbm>> -> memref<8xi32, #tpu.memory_space<hbm>>
      tpu.wait_dma2 semaphore(%run_scoped3A : memref<!tpu.dma_semaphore, #tpu.memory_space<semaphore_mem>>) src(%dma_wait3A_10 : memref<8xi32, #tpu.memory_space<hbm>>) dst(%arg5 : memref<8xi32, #tpu.memory_space<vmem>>)
      tpu.yield
    }) : () -> ()
    %dma_start3A = arith.constant 0 : i32
    %dma_start3A_3 = arith.constant 0 : i32
    %dma_start3A_4 = tpu.memref_slice %arg2[%dma_start3A, %dma_start3A_3] : memref<262144x128xf32, #tpu.memory_space<hbm>> -> memref<262144x128xf32, #tpu.memory_space<hbm>>
    tpu.enqueue_indirect_dma source(%dma_start3A_4 : memref<262144x128xf32, #tpu.memory_space<hbm>>) target(%arg6 : memref<8x128xf32, #tpu.memory_space<vmem>>) offsets(%arg5 : memref<8xi32, #tpu.memory_space<vmem>>) semaphore(%arg7 : memref<!tpu.dma_semaphore, #tpu.memory_space<semaphore_mem>>)
    %dma_wait3A = arith.constant 0 : i32
    %dma_wait3A_5 = arith.constant 0 : i32
    %dma_wait3A_6 = tpu.memref_slice %arg2[%dma_wait3A, %dma_wait3A_5] : memref<262144x128xf32, #tpu.memory_space<hbm>> -> memref<262144x128xf32, #tpu.memory_space<hbm>>
    tpu.wait_indirect_dma semaphore(%arg7 : memref<!tpu.dma_semaphore, #tpu.memory_space<semaphore_mem>>) src(%dma_wait3A_6 : memref<262144x128xf32, #tpu.memory_space<hbm>>) dst(%arg6 : memref<8x128xf32, #tpu.memory_space<vmem>>)
    "tpu.region"() ({
      %run_scoped3A = tpu.sem_alloc : memref<!tpu.dma_semaphore, #tpu.memory_space<semaphore_mem>>
      %dma_start3A_7 = arith.constant 0 : i32
      %dma_start3A_8 = tpu.memref_slice %arg4[%mul3A_2, %dma_start3A_7] : memref<256x128xf32, #tpu.memory_space<hbm>> -> memref<8x128xf32, #tpu.memory_space<hbm>>
      %dma_start3A_9 = arith.constant 0 : i32
      %dma_start3A_10 = tpu.memref_slice %arg4[%mul3A_2, %dma_start3A_9] : memref<256x128xf32, #tpu.memory_space<hbm>> -> memref<8x128xf32, #tpu.memory_space<hbm>>
      tpu.enqueue_dma source(%arg6 : memref<8x128xf32, #tpu.memory_space<vmem>>) target(%dma_start3A_10 : memref<8x128xf32, #tpu.memory_space<hbm>>) target_semaphore(%run_scoped3A : memref<!tpu.dma_semaphore, #tpu.memory_space<semaphore_mem>>)
      %dma_wait3A_11 = arith.constant 0 : i32
      %dma_wait3A_12 = tpu.memref_slice %arg4[%mul3A_2, %dma_wait3A_11] : memref<256x128xf32, #tpu.memory_space<hbm>> -> memref<8x128xf32, #tpu.memory_space<hbm>>
      %dma_wait3A_13 = arith.constant 0 : i32
      %dma_wait3A_14 = tpu.memref_slice %arg4[%mul3A_2, %dma_wait3A_13] : memref<256x128xf32, #tpu.memory_space<hbm>> -> memref<8x128xf32, #tpu.memory_space<hbm>>
      tpu.wait_dma2 semaphore(%run_scoped3A : memref<!tpu.dma_semaphore, #tpu.memory_space<semaphore_mem>>) src(%arg6 : memref<8x128xf32, #tpu.memory_space<vmem>>) dst(%dma_wait3A_14 : memref<8x128xf32, #tpu.memory_space<hbm>>)
      tpu.yield
    }) : () -> ()
    return
  }
}

module attributes {stable_mosaic.version = 14 : i64} {
  func.func @body(%arg0: i32, %arg1: i32, %arg2: memref<1x8192x64xf32, #tpu.memory_space<vmem>>, %arg3: memref<1x1x8192xf32, #tpu.memory_space<vmem>>, %arg4: memref<64x64xf32, #tpu.memory_space<vmem>>, %arg5: memref<1x64xf32, #tpu.memory_space<vmem>>, %arg6: memref<64x64xf32, #tpu.memory_space<vmem>>, %arg7: memref<1x64xf32, #tpu.memory_space<vmem>>, %arg8: memref<2x64xf32, #tpu.memory_space<vmem>>, %arg9: memref<1x64x128xf32, #tpu.memory_space<vmem>>, %arg10: memref<1x1x64xf32, #tpu.memory_space<vmem>>, %arg11: memref<1x64xf32, #tpu.memory_space<vmem>>, %arg12: memref<1xf32, #tpu.memory_space<smem>>, %arg13: memref<1xf32, #tpu.memory_space<smem>>) attributes {dimension_semantics = [#tpu.dimension_semantics<parallel>, #tpu.dimension_semantics<arbitrary>], iteration_bounds = array<i64: 16, 4>, scalar_prefetch = 0 : i64, scratch_operands = 3 : i64, tpu.core_type = #tpu.core_type<tc>, window_params = [{transform_indices = @transform_0, window_bounds = array<i64: 1, 8192, 64>}, {transform_indices = @transform_1, window_bounds = array<i64: 1, 1, 8192>}, {pipeline_mode = #tpu.pipeline_mode<synchronous>, transform_indices = @transform_2, window_bounds = array<i64: 64, 64>}, {pipeline_mode = #tpu.pipeline_mode<synchronous>, transform_indices = @transform_3, window_bounds = array<i64: 1, 64>}, {pipeline_mode = #tpu.pipeline_mode<synchronous>, transform_indices = @transform_4, window_bounds = array<i64: 64, 64>}, {pipeline_mode = #tpu.pipeline_mode<synchronous>, transform_indices = @transform_5, window_bounds = array<i64: 1, 64>}, {pipeline_mode = #tpu.pipeline_mode<synchronous>, transform_indices = @transform_6, window_bounds = array<i64: 2, 64>}, {transform_indices = @transform_7, window_bounds = array<i64: 1, 64, 128>}, {transform_indices = @transform_8, window_bounds = array<i64: 1, 1, 64>}]} {
    %get3A = arith.constant 0 : index
    %get3A_0 = arith.constant 0 : index
    %get3A_1 = arith.constant 0 : index
    %get3A_2 = vector.load %arg2[%get3A, %get3A_0, %get3A_1] : memref<1x8192x64xf32, #tpu.memory_space<vmem>>, vector<1x8192x64xf32>
    %get3A_3 = vector.shape_cast %get3A_2 : vector<1x8192x64xf32> to vector<8192x64xf32>
    %get3A_4 = arith.constant 0 : index
    %get3A_5 = arith.constant 0 : index
    %get3A_6 = vector.load %arg4[%get3A_4, %get3A_5] : memref<64x64xf32, #tpu.memory_space<vmem>>, vector<64x64xf32>
    %dot_general3A = arith.constant dense<0.000000e+00> : vector<8192x64xf32>
    %dot_general3A_7 = tpu.matmul %get3A_3, %get3A_6, %dot_general3A {dimension_numbers = #tpu.dot_dimension_numbers<[1], [0], [0], [1], [0, 0, 1, 1], [], []>, transpose_lhs_hint = false} : vector<8192x64xf32>, vector<64x64xf32>, vector<8192x64xf32> -> vector<8192x64xf32>
    %get3A_8 = arith.constant 0 : index
    %get3A_9 = arith.constant 0 : index
    %get3A_10 = vector.load %arg5[%get3A_8, %get3A_9] : memref<1x64xf32, #tpu.memory_space<vmem>>, vector<1x64xf32>
    %get3A_11 = vector.shape_cast %get3A_10 : vector<1x64xf32> to vector<64xf32>
    %broadcast_in_dim3A = vector.shape_cast %get3A_11 : vector<64xf32> to vector<1x64xf32>
    %add3A = vector.broadcast %broadcast_in_dim3A : vector<1x64xf32> to vector<8192x64xf32>
    %add3A_12 = arith.addf %dot_general3A_7, %add3A : vector<8192x64xf32>
    %max3A = arith.constant 0.000000e+00 : f32
    %max3A_13 = vector.broadcast %max3A : f32 to vector<8192x64xf32>
    %max3A_14 = arith.maximumf %add3A_12, %max3A_13 : vector<8192x64xf32>
    %get3A_15 = arith.constant 0 : index
    %get3A_16 = arith.constant 0 : index
    %get3A_17 = vector.load %arg6[%get3A_15, %get3A_16] : memref<64x64xf32, #tpu.memory_space<vmem>>, vector<64x64xf32>
    %dot_general3A_18 = arith.constant dense<0.000000e+00> : vector<8192x64xf32>
    %dot_general3A_19 = tpu.matmul %max3A_14, %get3A_17, %dot_general3A_18 {dimension_numbers = #tpu.dot_dimension_numbers<[1], [0], [0], [1], [0, 0, 1, 1], [], []>, transpose_lhs_hint = false} : vector<8192x64xf32>, vector<64x64xf32>, vector<8192x64xf32> -> vector<8192x64xf32>
    %get3A_20 = arith.constant 0 : index
    %get3A_21 = arith.constant 0 : index
    %get3A_22 = vector.load %arg7[%get3A_20, %get3A_21] : memref<1x64xf32, #tpu.memory_space<vmem>>, vector<1x64xf32>
    %get3A_23 = vector.shape_cast %get3A_22 : vector<1x64xf32> to vector<64xf32>
    %broadcast_in_dim3A_24 = vector.shape_cast %get3A_23 : vector<64xf32> to vector<1x64xf32>
    %add3A_25 = vector.broadcast %broadcast_in_dim3A_24 : vector<1x64xf32> to vector<8192x64xf32>
    %add3A_26 = arith.addf %dot_general3A_19, %add3A_25 : vector<8192x64xf32>
    %transpose3A = tpu.transpose %add3A_26, [1, 0] : vector<8192x64xf32> -> vector<64x8192xf32>
    %get3A_27 = arith.constant 0 : index
    %get3A_28 = arith.constant 0 : index
    %get3A_29 = vector.load %arg8[%get3A_27, %get3A_28] : memref<2x64xf32, #tpu.memory_space<vmem>>, vector<2x64xf32>
    %dot_general3A_30 = arith.constant dense<0.000000e+00> : vector<2x8192xf32>
    %dot_general3A_31 = tpu.matmul %get3A_29, %transpose3A, %dot_general3A_30 {dimension_numbers = #tpu.dot_dimension_numbers<[1], [0], [0], [1], [0, 0, 1, 1], [], []>, transpose_lhs_hint = false} : vector<2x64xf32>, vector<64x8192xf32>, vector<2x8192xf32> -> vector<2x8192xf32>
    %slice3A = vector.extract_strided_slice %dot_general3A_31 {offsets = [0, 0], sizes = [1, 8192], strides = [1, 1]} : vector<2x8192xf32> to vector<1x8192xf32>
    %mul3A = arith.constant 1.250000e-01 : f32
    %mul3A_32 = vector.broadcast %mul3A : f32 to vector<1x8192xf32>
    %mul3A_33 = arith.mulf %slice3A, %mul3A_32 : vector<1x8192xf32>
    %slice3A_34 = vector.extract_strided_slice %dot_general3A_31 {offsets = [1, 0], sizes = [1, 8192], strides = [1, 1]} : vector<2x8192xf32> to vector<1x8192xf32>
    %mul3A_35 = arith.constant 1.250000e-01 : f32
    %mul3A_36 = vector.broadcast %mul3A_35 : f32 to vector<1x8192xf32>
    %mul3A_37 = arith.mulf %slice3A_34, %mul3A_36 : vector<1x8192xf32>
    %add3A_38 = arith.addf %mul3A_33, %mul3A_37 : vector<1x8192xf32>
    %mul3A_39 = arith.constant 5.000000e-01 : f32
    %mul3A_40 = vector.broadcast %mul3A_39 : f32 to vector<1x8192xf32>
    %mul3A_41 = arith.mulf %add3A_38, %mul3A_40 : vector<1x8192xf32>
    %get3A_42 = arith.constant 0 : index
    %get3A_43 = arith.constant 0 : index
    %get3A_44 = arith.constant 0 : index
    %get3A_45 = vector.load %arg3[%get3A_42, %get3A_43, %get3A_44] : memref<1x1x8192xf32, #tpu.memory_space<vmem>>, vector<1x1x8192xf32>
    %get3A_46 = vector.shape_cast %get3A_45 : vector<1x1x8192xf32> to vector<1x8192xf32>
    %gt3A = arith.constant 5.000000e-01 : f32
    %gt3A_47 = vector.broadcast %gt3A : f32 to vector<1x8192xf32>
    %gt3A_48 = arith.cmpf ogt, %get3A_46, %gt3A_47 : vector<1x8192xf32>
    %jit3A = arith.constant -1.000000e+30 : f32
    %broadcast_in_dim3A_49 = vector.broadcast %jit3A : f32 to vector<1x8192xf32>
    %select_n3A = arith.select %gt3A_48, %mul3A_41, %broadcast_in_dim3A_49 : vector<1x8192xi1>, vector<1x8192xf32>
    %reshape3A = vector.shape_cast %select_n3A : vector<1x8192xf32> to vector<64x128xf32>
    %swap3A = arith.constant 0 : index
    %swap3A_50 = arith.constant 0 : index
    %swap3A_51 = arith.constant 0 : index
    %swap3A_52 = vector.load %arg9[%swap3A, %swap3A_50, %swap3A_51] : memref<1x64x128xf32, #tpu.memory_space<vmem>>, vector<1x64x128xf32>
    %swap3A_53 = vector.shape_cast %swap3A_52 : vector<1x64x128xf32> to vector<64x128xf32>
    %swap3A_54 = vector.shape_cast %reshape3A : vector<64x128xf32> to vector<1x64x128xf32>
    tpu.vector_store %arg9[%swap3A, %swap3A_50, %swap3A_51], %swap3A_54 {strides = array<i32>} : memref<1x64x128xf32, #tpu.memory_space<vmem>>, vector<1x64x128xf32>,
    %eq3A = arith.constant 0 : i32
    %eq3A_55 = arith.cmpi eq, %arg1, %eq3A : i32
    %convert_element_type3A = arith.extui %eq3A_55 : i1 to i32
    %cond3A = arith.constant 0 : i32
    %cond3A_56 = arith.cmpi ne, %convert_element_type3A, %cond3A : i32
    scf.if %cond3A_56 {
      %swap3A_95 = arith.constant -1.000000e+30 : f32
      %swap3A_96 = arith.constant 0 : index
      %swap3A_97 = memref.load %arg12[%swap3A_96] : memref<1xf32, #tpu.memory_space<smem>>
      memref.store %swap3A_95, %arg12[%swap3A_96] : memref<1xf32, #tpu.memory_space<smem>>
      %swap3A_98 = arith.constant 0.000000e+00 : f32
      %swap3A_99 = arith.constant 0 : index
      %swap3A_100 = memref.load %arg13[%swap3A_99] : memref<1xf32, #tpu.memory_space<smem>>
      memref.store %swap3A_98, %arg13[%swap3A_99] : memref<1xf32, #tpu.memory_space<smem>>
      %broadcast_in_dim3A_101 = arith.constant 0.000000e+00 : f32
      %broadcast_in_dim3A_102 = vector.broadcast %broadcast_in_dim3A_101 : f32 to vector<1x64xf32>
      %swap3A_103 = arith.constant 0 : index
      %swap3A_104 = arith.constant 0 : index
      %swap3A_105 = vector.load %arg11[%swap3A_103, %swap3A_104] : memref<1x64xf32, #tpu.memory_space<vmem>>, vector<1x64xf32>
      tpu.vector_store %arg11[%swap3A_103, %swap3A_104], %broadcast_in_dim3A_102 {strides = array<i32>} : memref<1x64xf32, #tpu.memory_space<vmem>>, vector<1x64xf32>,
    } else {
    }
    %get3A_57 = arith.constant 0 : index
    %get3A_58 = memref.load %arg12[%get3A_57] : memref<1xf32, #tpu.memory_space<smem>>
    %reduce_max3A = vector.shape_cast %select_n3A : vector<1x8192xf32> to vector<1x1x8192xf32>
    %reduce_max3A_59 = arith.constant dense<0xFF800000> : vector<1xf32>
    %reduce_max3A_60 = vector.multi_reduction <maximumf>, %reduce_max3A, %reduce_max3A_59 [1, 2] : vector<1x1x8192xf32> to vector<1xf32>
    %reduce_max3A_61 = vector.shape_cast %reduce_max3A_60 : vector<1xf32> to vector<1x1x1xf32>
    %reduce_max3A_62 = vector.extract %reduce_max3A_61[0, 0, 0] : f32 from vector<1x1x1xf32>
    %max3A_63 = arith.maximumf %get3A_58, %reduce_max3A_62 : f32
    %sub3A = arith.subf %get3A_58, %max3A_63 : f32
    %exp3A = math.exp %sub3A : f32
    %sub3A_64 = vector.broadcast %max3A_63 : f32 to vector<1x8192xf32>
    %sub3A_65 = arith.subf %select_n3A, %sub3A_64 : vector<1x8192xf32>
    %exp3A_66 = math.exp %sub3A_65 : vector<1x8192xf32>
    %get3A_67 = arith.constant 0 : index
    %get3A_68 = memref.load %arg13[%get3A_67] : memref<1xf32, #tpu.memory_space<smem>>
    %mul3A_69 = arith.mulf %get3A_68, %exp3A : f32
    %reduce_sum3A = vector.shape_cast %exp3A_66 : vector<1x8192xf32> to vector<1x1x8192xf32>
    %reduce_sum3A_70 = arith.constant dense<0.000000e+00> : vector<1xf32>
    %reduce_sum3A_71 = vector.multi_reduction <add>, %reduce_sum3A, %reduce_sum3A_70 [1, 2] : vector<1x1x8192xf32> to vector<1xf32>
    %reduce_sum3A_72 = vector.shape_cast %reduce_sum3A_71 : vector<1xf32> to vector<1x1x1xf32>
    %reduce_sum3A_73 = vector.extract %reduce_sum3A_72[0, 0, 0] : f32 from vector<1x1x1xf32>
    %add3A_74 = arith.addf %mul3A_69, %reduce_sum3A_73 : f32
    %swap3A_75 = arith.constant 0 : index
    %swap3A_76 = memref.load %arg13[%swap3A_75] : memref<1xf32, #tpu.memory_space<smem>>
    memref.store %add3A_74, %arg13[%swap3A_75] : memref<1xf32, #tpu.memory_space<smem>>
    %get3A_77 = arith.constant 0 : index
    %get3A_78 = arith.constant 0 : index
    %get3A_79 = vector.load %arg11[%get3A_77, %get3A_78] : memref<1x64xf32, #tpu.memory_space<vmem>>, vector<1x64xf32>
    %mul3A_80 = vector.broadcast %exp3A : f32 to vector<1x64xf32>
    %mul3A_81 = arith.mulf %get3A_79, %mul3A_80 : vector<1x64xf32>
    %dot_general3A_82 = arith.constant dense<0.000000e+00> : vector<1x64xf32>
    %dot_general3A_83 = tpu.matmul %exp3A_66, %add3A_26, %dot_general3A_82 {dimension_numbers = #tpu.dot_dimension_numbers<[1], [0], [0], [1], [0, 0, 1, 1], [], []>, transpose_lhs_hint = false} : vector<1x8192xf32>, vector<8192x64xf32>, vector<1x64xf32> -> vector<1x64xf32>
    %add3A_84 = arith.addf %mul3A_81, %dot_general3A_83 : vector<1x64xf32>
    %swap3A_85 = arith.constant 0 : index
    %swap3A_86 = arith.constant 0 : index
    %swap3A_87 = vector.load %arg11[%swap3A_85, %swap3A_86] : memref<1x64xf32, #tpu.memory_space<vmem>>, vector<1x64xf32>
    tpu.vector_store %arg11[%swap3A_85, %swap3A_86], %add3A_84 {strides = array<i32>} : memref<1x64xf32, #tpu.memory_space<vmem>>, vector<1x64xf32>,
    %swap3A_88 = arith.constant 0 : index
    %swap3A_89 = memref.load %arg12[%swap3A_88] : memref<1xf32, #tpu.memory_space<smem>>
    memref.store %max3A_63, %arg12[%swap3A_88] : memref<1xf32, #tpu.memory_space<smem>>
    %eq3A_90 = arith.constant 3 : i32
    %eq3A_91 = arith.cmpi eq, %arg1, %eq3A_90 : i32
    %convert_element_type3A_92 = arith.extui %eq3A_91 : i1 to i32
    %cond3A_93 = arith.constant 0 : i32
    %cond3A_94 = arith.cmpi ne, %convert_element_type3A_92, %cond3A_93 : i32
    scf.if %cond3A_94 {
      %get3A_95 = arith.constant 0 : index
      %get3A_96 = arith.constant 0 : index
      %get3A_97 = vector.load %arg11[%get3A_95, %get3A_96] : memref<1x64xf32, #tpu.memory_space<vmem>>, vector<1x64xf32>
      %get3A_98 = arith.constant 0 : index
      %get3A_99 = memref.load %arg13[%get3A_98] : memref<1xf32, #tpu.memory_space<smem>>
      %div3A = vector.broadcast %get3A_99 : f32 to vector<1x64xf32>
      %div3A_100 = arith.divf %get3A_97, %div3A : vector<1x64xf32>
      %swap3A_101 = arith.constant 0 : index
      %swap3A_102 = arith.constant 0 : index
      %swap3A_103 = arith.constant 0 : index
      %swap3A_104 = vector.load %arg10[%swap3A_101, %swap3A_102, %swap3A_103] : memref<1x1x64xf32, #tpu.memory_space<vmem>>, vector<1x1x64xf32>
      %swap3A_105 = vector.shape_cast %swap3A_104 : vector<1x1x64xf32> to vector<1x64xf32>
      %swap3A_106 = vector.shape_cast %div3A_100 : vector<1x64xf32> to vector<1x1x64xf32>
      tpu.vector_store %arg10[%swap3A_101, %swap3A_102, %swap3A_103], %swap3A_106 {strides = array<i32>} : memref<1x1x64xf32, #tpu.memory_space<vmem>>, vector<1x1x64xf32>,
    } else {
    }
    return
  }
  func.func @transform_0(%arg0: i32, %arg1: i32) -> (i32, i32, i32) {
    %c0_i32 = arith.constant 0 : i32
    %c0_i32_0 = arith.constant 0 : i32
    return %arg0, %arg1, %c0_i32 : i32, i32, i32
  }
  func.func @transform_1(%arg0: i32, %arg1: i32) -> (i32, i32, i32) {
    %mul3A = arith.constant 4 : i32
    %mul3A_0 = arith.muli %arg0, %mul3A : i32
    %add3A = arith.addi %mul3A_0, %arg1 : i32
    %c0_i32 = arith.constant 0 : i32
    %c0_i32_1 = arith.constant 0 : i32
    %c0_i32_2 = arith.constant 0 : i32
    return %add3A, %c0_i32, %c0_i32_1 : i32, i32, i32
  }
  func.func @transform_2(%arg0: i32, %arg1: i32) -> (i32, i32) {
    %c0_i32 = arith.constant 0 : i32
    %c0_i32_0 = arith.constant 0 : i32
    %c0_i32_1 = arith.constant 0 : i32
    return %c0_i32, %c0_i32_0 : i32, i32
  }
  func.func @transform_3(%arg0: i32, %arg1: i32) -> (i32, i32) {
    %c0_i32 = arith.constant 0 : i32
    %c0_i32_0 = arith.constant 0 : i32
    %c0_i32_1 = arith.constant 0 : i32
    return %c0_i32, %c0_i32_0 : i32, i32
  }
  func.func @transform_4(%arg0: i32, %arg1: i32) -> (i32, i32) {
    %c0_i32 = arith.constant 0 : i32
    %c0_i32_0 = arith.constant 0 : i32
    %c0_i32_1 = arith.constant 0 : i32
    return %c0_i32, %c0_i32_0 : i32, i32
  }
  func.func @transform_5(%arg0: i32, %arg1: i32) -> (i32, i32) {
    %c0_i32 = arith.constant 0 : i32
    %c0_i32_0 = arith.constant 0 : i32
    %c0_i32_1 = arith.constant 0 : i32
    return %c0_i32, %c0_i32_0 : i32, i32
  }
  func.func @transform_6(%arg0: i32, %arg1: i32) -> (i32, i32) {
    %c0_i32 = arith.constant 0 : i32
    %c0_i32_0 = arith.constant 0 : i32
    %c0_i32_1 = arith.constant 0 : i32
    return %c0_i32, %c0_i32_0 : i32, i32
  }
  func.func @transform_7(%arg0: i32, %arg1: i32) -> (i32, i32, i32) {
    %c0_i32 = arith.constant 0 : i32
    %c0_i32_0 = arith.constant 0 : i32
    return %arg0, %arg1, %c0_i32 : i32, i32, i32
  }
  func.func @transform_8(%arg0: i32, %arg1: i32) -> (i32, i32, i32) {
    %c0_i32 = arith.constant 0 : i32
    %c0_i32_0 = arith.constant 0 : i32
    %c0_i32_1 = arith.constant 0 : i32
    return %arg0, %c0_i32, %c0_i32_0 : i32, i32, i32
  }
}

module attributes {stable_mosaic.version = 14 : i64} {
  func.func @body(%arg0: i32, %arg1: memref<8x256x128xf32, #tpu.memory_space<vmem>>, %arg2: memref<8x256x128xf32, #tpu.memory_space<vmem>>, %arg3: memref<8x1x16xi32, #tpu.memory_space<vmem>>) attributes {dimension_semantics = [#tpu.dimension_semantics<parallel>], iteration_bounds = array<i64: 2>, scalar_prefetch = 0 : i64, scratch_operands = 0 : i64, tpu.core_type = #tpu.core_type<tc>, window_params = [{transform_indices = @transform_0, window_bounds = array<i64: 8, 256, 128>}, {transform_indices = @transform_1, window_bounds = array<i64: 8, 256, 128>}, {transform_indices = @transform_2, window_bounds = array<i64: 8, 1, 16>}]} {
    %get3A = arith.constant 0 : index
    %get3A_0 = arith.constant 0 : index
    %get3A_1 = arith.constant 0 : index
    %get3A_2 = vector.load %arg1[%get3A, %get3A_0, %get3A_1] : memref<8x256x128xf32, #tpu.memory_space<vmem>>, vector<8x256x128xf32>
    %reduce_max3A = arith.constant dense<0xFF800000> : vector<8x256xf32>
    %reduce_max3A_3 = vector.multi_reduction <maximumf>, %get3A_2, %reduce_max3A [2] : vector<8x256x128xf32> to vector<8x256xf32>
    %broadcast_in_dim3A = vector.shape_cast %reduce_max3A_3 : vector<8x256xf32> to vector<8x256x1xf32>
    %reduce_max3A_4 = arith.constant dense<0xFF800000> : vector<8x1xf32>
    %reduce_max3A_5 = vector.multi_reduction <maximumf>, %broadcast_in_dim3A, %reduce_max3A_4 [1] : vector<8x256x1xf32> to vector<8x1xf32>
    %broadcast_in_dim3A_6 = vector.shape_cast %reduce_max3A_5 : vector<8x1xf32> to vector<8x1x1xf32>
    %sub3A = vector.broadcast %broadcast_in_dim3A_6 : vector<8x1x1xf32> to vector<8x256x128xf32>
    %sub3A_7 = arith.subf %get3A_2, %sub3A : vector<8x256x128xf32>
    %exp3A = math.exp %sub3A_7 : vector<8x256x128xf32>
    %reduce_sum3A = arith.constant dense<0.000000e+00> : vector<8x256xf32>
    %reduce_sum3A_8 = vector.multi_reduction <add>, %exp3A, %reduce_sum3A [2] : vector<8x256x128xf32> to vector<8x256xf32>
    %broadcast_in_dim3A_9 = vector.shape_cast %reduce_sum3A_8 : vector<8x256xf32> to vector<8x256x1xf32>
    %reduce_sum3A_10 = arith.constant dense<0.000000e+00> : vector<8x1xf32>
    %reduce_sum3A_11 = vector.multi_reduction <add>, %broadcast_in_dim3A_9, %reduce_sum3A_10 [1] : vector<8x256x1xf32> to vector<8x1xf32>
    %broadcast_in_dim3A_12 = vector.shape_cast %reduce_sum3A_11 : vector<8x1xf32> to vector<8x1x1xf32>
    %div3A = vector.broadcast %broadcast_in_dim3A_12 : vector<8x1x1xf32> to vector<8x256x128xf32>
    %div3A_13 = arith.divf %exp3A, %div3A : vector<8x256x128xf32>
    %swap3A = arith.constant 0 : index
    %swap3A_14 = arith.constant 0 : index
    %swap3A_15 = arith.constant 0 : index
    %swap3A_16 = vector.load %arg2[%swap3A, %swap3A_14, %swap3A_15] : memref<8x256x128xf32, #tpu.memory_space<vmem>>, vector<8x256x128xf32>
    tpu.vector_store %arg2[%swap3A, %swap3A_14, %swap3A_15], %div3A_13 {strides = array<i32>} : memref<8x256x128xf32, #tpu.memory_space<vmem>>, vector<8x256x128xf32>,
    %iota3A = tpu.iota {dimensions = array<i32: 1>} : vector<1x256x128xi32>
    %mul3A = arith.constant 128 : i32
    %mul3A_17 = vector.broadcast %mul3A : i32 to vector<1x256x128xi32>
    %mul3A_18 = arith.muli %iota3A, %mul3A_17 : vector<1x256x128xi32>
    %iota3A_19 = tpu.iota {dimensions = array<i32: 2>} : vector<1x256x128xi32>
    %add3A = arith.addi %mul3A_18, %iota3A_19 : vector<1x256x128xi32>
    %iota3A_20 = tpu.iota {dimensions = array<i32: 0>} : vector<8x1x1xi32>
    %mul3A_21 = arith.constant 8 : i32
    %mul3A_22 = arith.muli %arg0, %mul3A_21 : i32
    %add3A_23 = vector.broadcast %mul3A_22 : i32 to vector<8x1x1xi32>
    %add3A_24 = arith.addi %iota3A_20, %add3A_23 : vector<8x1x1xi32>
    %mul3A_25 = arith.constant 32768 : i32
    %mul3A_26 = vector.broadcast %mul3A_25 : i32 to vector<8x1x1xi32>
    %mul3A_27 = arith.muli %add3A_24, %mul3A_26 : vector<8x1x1xi32>
    %iota3A_28 = tpu.iota {dimensions = array<i32: 2>} : vector<8x1x16xi32>
    %broadcast_in_dim3A_29 = arith.constant 0 : i32
    %broadcast_in_dim3A_30 = vector.broadcast %broadcast_in_dim3A_29 : i32 to vector<8x1x16xi32>
    %reduce_max3A_31 = arith.constant dense<0xFF800000> : vector<8x256xf32>
    %reduce_max3A_32 = vector.multi_reduction <maximumf>, %get3A_2, %reduce_max3A_31 [2] : vector<8x256x128xf32> to vector<8x256xf32>
    %broadcast_in_dim3A_33 = vector.shape_cast %reduce_max3A_32 : vector<8x256xf32> to vector<8x256x1xf32>
    %reduce_max3A_34 = arith.constant dense<0xFF800000> : vector<8x1xf32>
    %reduce_max3A_35 = vector.multi_reduction <maximumf>, %broadcast_in_dim3A_33, %reduce_max3A_34 [1] : vector<8x256x1xf32> to vector<8x1xf32>
    %broadcast_in_dim3A_36 = vector.shape_cast %reduce_max3A_35 : vector<8x1xf32> to vector<8x1x1xf32>
    %eq3A = vector.broadcast %broadcast_in_dim3A_36 : vector<8x1x1xf32> to vector<8x256x128xf32>
    %eq3A_37 = arith.cmpf oeq, %get3A_2, %eq3A : vector<8x256x128xf32>
    %jit3A = arith.constant 32768 : i32
    %broadcast_in_dim3A_38 = vector.shape_cast %add3A : vector<1x256x128xi32> to vector<1x256x128xi32>
    %broadcast_in_dim3A_39 = vector.broadcast %broadcast_in_dim3A_38 : vector<1x256x128xi32> to vector<8x256x128xi32>
    %broadcast_in_dim3A_40 = vector.broadcast %jit3A : i32 to vector<8x256x128xi32>
    %select_n3A = arith.select %eq3A_37, %broadcast_in_dim3A_39, %broadcast_in_dim3A_40 : vector<8x256x128xi1>, vector<8x256x128xi32>
    %reduce_min3A = arith.constant dense<2147483647> : vector<8x256xi32>
    %reduce_min3A_41 = vector.multi_reduction <minsi>, %select_n3A, %reduce_min3A [2] : vector<8x256x128xi32> to vector<8x256xi32>
    %broadcast_in_dim3A_42 = vector.shape_cast %reduce_min3A_41 : vector<8x256xi32> to vector<8x256x1xi32>
    %reduce_min3A_43 = arith.constant dense<2147483647> : vector<8x1xi32>
    %reduce_min3A_44 = vector.multi_reduction <minsi>, %broadcast_in_dim3A_42, %reduce_min3A_43 [1] : vector<8x256x1xi32> to vector<8x1xi32>
    %broadcast_in_dim3A_45 = vector.shape_cast %reduce_min3A_44 : vector<8x1xi32> to vector<8x1x1xi32>
    %eq3A_46 = arith.constant 0 : i32
    %eq3A_47 = vector.broadcast %eq3A_46 : i32 to vector<8x1x16xi32>
    %eq3A_48 = arith.cmpi eq, %iota3A_28, %eq3A_47 : vector<8x1x16xi32>
    %add3A_49 = arith.addi %mul3A_27, %broadcast_in_dim3A_45 : vector<8x1x1xi32>
    %broadcast_in_dim3A_50 = vector.shape_cast %add3A_49 : vector<8x1x1xi32> to vector<8x1x1xi32>
    %broadcast_in_dim3A_51 = vector.broadcast %broadcast_in_dim3A_50 : vector<8x1x1xi32> to vector<8x1x16xi32>
    %select_n3A_52 = arith.select %eq3A_48, %broadcast_in_dim3A_51, %broadcast_in_dim3A_30 : vector<8x1x16xi1>, vector<8x1x16xi32>
    %eq3A_53 = vector.broadcast %add3A : vector<1x256x128xi32> to vector<8x256x128xi32>
    %eq3A_54 = vector.broadcast %broadcast_in_dim3A_45 : vector<8x1x1xi32> to vector<8x256x128xi32>
    %eq3A_55 = arith.cmpi eq, %eq3A_53, %eq3A_54 : vector<8x256x128xi32>
    %jit3A_56 = arith.constant -3.000000e+38 : f32
    %broadcast_in_dim3A_57 = vector.broadcast %jit3A_56 : f32 to vector<8x256x128xf32>
    %select_n3A_58 = arith.select %eq3A_55, %broadcast_in_dim3A_57, %get3A_2 : vector<8x256x128xi1>, vector<8x256x128xf32>
    %reduce_max3A_59 = arith.constant dense<0xFF800000> : vector<8x256xf32>
    %reduce_max3A_60 = vector.multi_reduction <maximumf>, %select_n3A_58, %reduce_max3A_59 [2] : vector<8x256x128xf32> to vector<8x256xf32>
    %broadcast_in_dim3A_61 = vector.shape_cast %reduce_max3A_60 : vector<8x256xf32> to vector<8x256x1xf32>
    %reduce_max3A_62 = arith.constant dense<0xFF800000> : vector<8x1xf32>
    %reduce_max3A_63 = vector.multi_reduction <maximumf>, %broadcast_in_dim3A_61, %reduce_max3A_62 [1] : vector<8x256x1xf32> to vector<8x1xf32>
    %broadcast_in_dim3A_64 = vector.shape_cast %reduce_max3A_63 : vector<8x1xf32> to vector<8x1x1xf32>
    %eq3A_65 = vector.broadcast %broadcast_in_dim3A_64 : vector<8x1x1xf32> to vector<8x256x128xf32>
    %eq3A_66 = arith.cmpf oeq, %select_n3A_58, %eq3A_65 : vector<8x256x128xf32>
    %jit3A_67 = arith.constant 32768 : i32
    %broadcast_in_dim3A_68 = vector.shape_cast %add3A : vector<1x256x128xi32> to vector<1x256x128xi32>
    %broadcast_in_dim3A_69 = vector.broadcast %broadcast_in_dim3A_68 : vector<1x256x128xi32> to vector<8x256x128xi32>
    %broadcast_in_dim3A_70 = vector.broadcast %jit3A_67 : i32 to vector<8x256x128xi32>
    %select_n3A_71 = arith.select %eq3A_66, %broadcast_in_dim3A_69, %broadcast_in_dim3A_70 : vector<8x256x128xi1>, vector<8x256x128xi32>
    %reduce_min3A_72 = arith.constant dense<2147483647> : vector<8x256xi32>
    %reduce_min3A_73 = vector.multi_reduction <minsi>, %select_n3A_71, %reduce_min3A_72 [2] : vector<8x256x128xi32> to vector<8x256xi32>
    %broadcast_in_dim3A_74 = vector.shape_cast %reduce_min3A_73 : vector<8x256xi32> to vector<8x256x1xi32>
    %reduce_min3A_75 = arith.constant dense<2147483647> : vector<8x1xi32>
    %reduce_min3A_76 = vector.multi_reduction <minsi>, %broadcast_in_dim3A_74, %reduce_min3A_75 [1] : vector<8x256x1xi32> to vector<8x1xi32>
    %broadcast_in_dim3A_77 = vector.shape_cast %reduce_min3A_76 : vector<8x1xi32> to vector<8x1x1xi32>
    %eq3A_78 = arith.constant 1 : i32
    %eq3A_79 = vector.broadcast %eq3A_78 : i32 to vector<8x1x16xi32>
    %eq3A_80 = arith.cmpi eq, %iota3A_28, %eq3A_79 : vector<8x1x16xi32>
    %add3A_81 = arith.addi %mul3A_27, %broadcast_in_dim3A_77 : vector<8x1x1xi32>
    %broadcast_in_dim3A_82 = vector.shape_cast %add3A_81 : vector<8x1x1xi32> to vector<8x1x1xi32>
    %broadcast_in_dim3A_83 = vector.broadcast %broadcast_in_dim3A_82 : vector<8x1x1xi32> to vector<8x1x16xi32>
    %select_n3A_84 = arith.select %eq3A_80, %broadcast_in_dim3A_83, %select_n3A_52 : vector<8x1x16xi1>, vector<8x1x16xi32>
    %eq3A_85 = vector.broadcast %add3A : vector<1x256x128xi32> to vector<8x256x128xi32>
    %eq3A_86 = vector.broadcast %broadcast_in_dim3A_77 : vector<8x1x1xi32> to vector<8x256x128xi32>
    %eq3A_87 = arith.cmpi eq, %eq3A_85, %eq3A_86 : vector<8x256x128xi32>
    %jit3A_88 = arith.constant -3.000000e+38 : f32
    %broadcast_in_dim3A_89 = vector.broadcast %jit3A_88 : f32 to vector<8x256x128xf32>
    %select_n3A_90 = arith.select %eq3A_87, %broadcast_in_dim3A_89, %select_n3A_58 : vector<8x256x128xi1>, vector<8x256x128xf32>
    %reduce_max3A_91 = arith.constant dense<0xFF800000> : vector<8x256xf32>
    %reduce_max3A_92 = vector.multi_reduction <maximumf>, %select_n3A_90, %reduce_max3A_91 [2] : vector<8x256x128xf32> to vector<8x256xf32>
    %broadcast_in_dim3A_93 = vector.shape_cast %reduce_max3A_92 : vector<8x256xf32> to vector<8x256x1xf32>
    %reduce_max3A_94 = arith.constant dense<0xFF800000> : vector<8x1xf32>
    %reduce_max3A_95 = vector.multi_reduction <maximumf>, %broadcast_in_dim3A_93, %reduce_max3A_94 [1] : vector<8x256x1xf32> to vector<8x1xf32>
    %broadcast_in_dim3A_96 = vector.shape_cast %reduce_max3A_95 : vector<8x1xf32> to vector<8x1x1xf32>
    %eq3A_97 = vector.broadcast %broadcast_in_dim3A_96 : vector<8x1x1xf32> to vector<8x256x128xf32>
    %eq3A_98 = arith.cmpf oeq, %select_n3A_90, %eq3A_97 : vector<8x256x128xf32>
    %jit3A_99 = arith.constant 32768 : i32
    %broadcast_in_dim3A_100 = vector.shape_cast %add3A : vector<1x256x128xi32> to vector<1x256x128xi32>
    %broadcast_in_dim3A_101 = vector.broadcast %broadcast_in_dim3A_100 : vector<1x256x128xi32> to vector<8x256x128xi32>
    %broadcast_in_dim3A_102 = vector.broadcast %jit3A_99 : i32 to vector<8x256x128xi32>
    %select_n3A_103 = arith.select %eq3A_98, %broadcast_in_dim3A_101, %broadcast_in_dim3A_102 : vector<8x256x128xi1>, vector<8x256x128xi32>
    %reduce_min3A_104 = arith.constant dense<2147483647> : vector<8x256xi32>
    %reduce_min3A_105 = vector.multi_reduction <minsi>, %select_n3A_103, %reduce_min3A_104 [2] : vector<8x256x128xi32> to vector<8x256xi32>
    %broadcast_in_dim3A_106 = vector.shape_cast %reduce_min3A_105 : vector<8x256xi32> to vector<8x256x1xi32>
    %reduce_min3A_107 = arith.constant dense<2147483647> : vector<8x1xi32>
    %reduce_min3A_108 = vector.multi_reduction <minsi>, %broadcast_in_dim3A_106, %reduce_min3A_107 [1] : vector<8x256x1xi32> to vector<8x1xi32>
    %broadcast_in_dim3A_109 = vector.shape_cast %reduce_min3A_108 : vector<8x1xi32> to vector<8x1x1xi32>
    %eq3A_110 = arith.constant 2 : i32
    %eq3A_111 = vector.broadcast %eq3A_110 : i32 to vector<8x1x16xi32>
    %eq3A_112 = arith.cmpi eq, %iota3A_28, %eq3A_111 : vector<8x1x16xi32>
    %add3A_113 = arith.addi %mul3A_27, %broadcast_in_dim3A_109 : vector<8x1x1xi32>
    %broadcast_in_dim3A_114 = vector.shape_cast %add3A_113 : vector<8x1x1xi32> to vector<8x1x1xi32>
    %broadcast_in_dim3A_115 = vector.broadcast %broadcast_in_dim3A_114 : vector<8x1x1xi32> to vector<8x1x16xi32>
    %select_n3A_116 = arith.select %eq3A_112, %broadcast_in_dim3A_115, %select_n3A_84 : vector<8x1x16xi1>, vector<8x1x16xi32>
    %eq3A_117 = vector.broadcast %add3A : vector<1x256x128xi32> to vector<8x256x128xi32>
    %eq3A_118 = vector.broadcast %broadcast_in_dim3A_109 : vector<8x1x1xi32> to vector<8x256x128xi32>
    %eq3A_119 = arith.cmpi eq, %eq3A_117, %eq3A_118 : vector<8x256x128xi32>
    %jit3A_120 = arith.constant -3.000000e+38 : f32
    %broadcast_in_dim3A_121 = vector.broadcast %jit3A_120 : f32 to vector<8x256x128xf32>
    %select_n3A_122 = arith.select %eq3A_119, %broadcast_in_dim3A_121, %select_n3A_90 : vector<8x256x128xi1>, vector<8x256x128xf32>
    %reduce_max3A_123 = arith.constant dense<0xFF800000> : vector<8x256xf32>
    %reduce_max3A_124 = vector.multi_reduction <maximumf>, %select_n3A_122, %reduce_max3A_123 [2] : vector<8x256x128xf32> to vector<8x256xf32>
    %broadcast_in_dim3A_125 = vector.shape_cast %reduce_max3A_124 : vector<8x256xf32> to vector<8x256x1xf32>
    %reduce_max3A_126 = arith.constant dense<0xFF800000> : vector<8x1xf32>
    %reduce_max3A_127 = vector.multi_reduction <maximumf>, %broadcast_in_dim3A_125, %reduce_max3A_126 [1] : vector<8x256x1xf32> to vector<8x1xf32>
    %broadcast_in_dim3A_128 = vector.shape_cast %reduce_max3A_127 : vector<8x1xf32> to vector<8x1x1xf32>
    %eq3A_129 = vector.broadcast %broadcast_in_dim3A_128 : vector<8x1x1xf32> to vector<8x256x128xf32>
    %eq3A_130 = arith.cmpf oeq, %select_n3A_122, %eq3A_129 : vector<8x256x128xf32>
    %jit3A_131 = arith.constant 32768 : i32
    %broadcast_in_dim3A_132 = vector.shape_cast %add3A : vector<1x256x128xi32> to vector<1x256x128xi32>
    %broadcast_in_dim3A_133 = vector.broadcast %broadcast_in_dim3A_132 : vector<1x256x128xi32> to vector<8x256x128xi32>
    %broadcast_in_dim3A_134 = vector.broadcast %jit3A_131 : i32 to vector<8x256x128xi32>
    %select_n3A_135 = arith.select %eq3A_130, %broadcast_in_dim3A_133, %broadcast_in_dim3A_134 : vector<8x256x128xi1>, vector<8x256x128xi32>
    %reduce_min3A_136 = arith.constant dense<2147483647> : vector<8x256xi32>
    %reduce_min3A_137 = vector.multi_reduction <minsi>, %select_n3A_135, %reduce_min3A_136 [2] : vector<8x256x128xi32> to vector<8x256xi32>
    %broadcast_in_dim3A_138 = vector.shape_cast %reduce_min3A_137 : vector<8x256xi32> to vector<8x256x1xi32>
    %reduce_min3A_139 = arith.constant dense<2147483647> : vector<8x1xi32>
    %reduce_min3A_140 = vector.multi_reduction <minsi>, %broadcast_in_dim3A_138, %reduce_min3A_139 [1] : vector<8x256x1xi32> to vector<8x1xi32>
    %broadcast_in_dim3A_141 = vector.shape_cast %reduce_min3A_140 : vector<8x1xi32> to vector<8x1x1xi32>
    %eq3A_142 = arith.constant 3 : i32
    %eq3A_143 = vector.broadcast %eq3A_142 : i32 to vector<8x1x16xi32>
    %eq3A_144 = arith.cmpi eq, %iota3A_28, %eq3A_143 : vector<8x1x16xi32>
    %add3A_145 = arith.addi %mul3A_27, %broadcast_in_dim3A_141 : vector<8x1x1xi32>
    %broadcast_in_dim3A_146 = vector.shape_cast %add3A_145 : vector<8x1x1xi32> to vector<8x1x1xi32>
    %broadcast_in_dim3A_147 = vector.broadcast %broadcast_in_dim3A_146 : vector<8x1x1xi32> to vector<8x1x16xi32>
    %select_n3A_148 = arith.select %eq3A_144, %broadcast_in_dim3A_147, %select_n3A_116 : vector<8x1x16xi1>, vector<8x1x16xi32>
    %eq3A_149 = vector.broadcast %add3A : vector<1x256x128xi32> to vector<8x256x128xi32>
    %eq3A_150 = vector.broadcast %broadcast_in_dim3A_141 : vector<8x1x1xi32> to vector<8x256x128xi32>
    %eq3A_151 = arith.cmpi eq, %eq3A_149, %eq3A_150 : vector<8x256x128xi32>
    %jit3A_152 = arith.constant -3.000000e+38 : f32
    %broadcast_in_dim3A_153 = vector.broadcast %jit3A_152 : f32 to vector<8x256x128xf32>
    %select_n3A_154 = arith.select %eq3A_151, %broadcast_in_dim3A_153, %select_n3A_122 : vector<8x256x128xi1>, vector<8x256x128xf32>
    %reduce_max3A_155 = arith.constant dense<0xFF800000> : vector<8x256xf32>
    %reduce_max3A_156 = vector.multi_reduction <maximumf>, %select_n3A_154, %reduce_max3A_155 [2] : vector<8x256x128xf32> to vector<8x256xf32>
    %broadcast_in_dim3A_157 = vector.shape_cast %reduce_max3A_156 : vector<8x256xf32> to vector<8x256x1xf32>
    %reduce_max3A_158 = arith.constant dense<0xFF800000> : vector<8x1xf32>
    %reduce_max3A_159 = vector.multi_reduction <maximumf>, %broadcast_in_dim3A_157, %reduce_max3A_158 [1] : vector<8x256x1xf32> to vector<8x1xf32>
    %broadcast_in_dim3A_160 = vector.shape_cast %reduce_max3A_159 : vector<8x1xf32> to vector<8x1x1xf32>
    %eq3A_161 = vector.broadcast %broadcast_in_dim3A_160 : vector<8x1x1xf32> to vector<8x256x128xf32>
    %eq3A_162 = arith.cmpf oeq, %select_n3A_154, %eq3A_161 : vector<8x256x128xf32>
    %jit3A_163 = arith.constant 32768 : i32
    %broadcast_in_dim3A_164 = vector.shape_cast %add3A : vector<1x256x128xi32> to vector<1x256x128xi32>
    %broadcast_in_dim3A_165 = vector.broadcast %broadcast_in_dim3A_164 : vector<1x256x128xi32> to vector<8x256x128xi32>
    %broadcast_in_dim3A_166 = vector.broadcast %jit3A_163 : i32 to vector<8x256x128xi32>
    %select_n3A_167 = arith.select %eq3A_162, %broadcast_in_dim3A_165, %broadcast_in_dim3A_166 : vector<8x256x128xi1>, vector<8x256x128xi32>
    %reduce_min3A_168 = arith.constant dense<2147483647> : vector<8x256xi32>
    %reduce_min3A_169 = vector.multi_reduction <minsi>, %select_n3A_167, %reduce_min3A_168 [2] : vector<8x256x128xi32> to vector<8x256xi32>
    %broadcast_in_dim3A_170 = vector.shape_cast %reduce_min3A_169 : vector<8x256xi32> to vector<8x256x1xi32>
    %reduce_min3A_171 = arith.constant dense<2147483647> : vector<8x1xi32>
    %reduce_min3A_172 = vector.multi_reduction <minsi>, %broadcast_in_dim3A_170, %reduce_min3A_171 [1] : vector<8x256x1xi32> to vector<8x1xi32>
    %broadcast_in_dim3A_173 = vector.shape_cast %reduce_min3A_172 : vector<8x1xi32> to vector<8x1x1xi32>
    %eq3A_174 = arith.constant 4 : i32
    %eq3A_175 = vector.broadcast %eq3A_174 : i32 to vector<8x1x16xi32>
    %eq3A_176 = arith.cmpi eq, %iota3A_28, %eq3A_175 : vector<8x1x16xi32>
    %add3A_177 = arith.addi %mul3A_27, %broadcast_in_dim3A_173 : vector<8x1x1xi32>
    %broadcast_in_dim3A_178 = vector.shape_cast %add3A_177 : vector<8x1x1xi32> to vector<8x1x1xi32>
    %broadcast_in_dim3A_179 = vector.broadcast %broadcast_in_dim3A_178 : vector<8x1x1xi32> to vector<8x1x16xi32>
    %select_n3A_180 = arith.select %eq3A_176, %broadcast_in_dim3A_179, %select_n3A_148 : vector<8x1x16xi1>, vector<8x1x16xi32>
    %eq3A_181 = vector.broadcast %add3A : vector<1x256x128xi32> to vector<8x256x128xi32>
    %eq3A_182 = vector.broadcast %broadcast_in_dim3A_173 : vector<8x1x1xi32> to vector<8x256x128xi32>
    %eq3A_183 = arith.cmpi eq, %eq3A_181, %eq3A_182 : vector<8x256x128xi32>
    %jit3A_184 = arith.constant -3.000000e+38 : f32
    %broadcast_in_dim3A_185 = vector.broadcast %jit3A_184 : f32 to vector<8x256x128xf32>
    %select_n3A_186 = arith.select %eq3A_183, %broadcast_in_dim3A_185, %select_n3A_154 : vector<8x256x128xi1>, vector<8x256x128xf32>
    %reduce_max3A_187 = arith.constant dense<0xFF800000> : vector<8x256xf32>
    %reduce_max3A_188 = vector.multi_reduction <maximumf>, %select_n3A_186, %reduce_max3A_187 [2] : vector<8x256x128xf32> to vector<8x256xf32>
    %broadcast_in_dim3A_189 = vector.shape_cast %reduce_max3A_188 : vector<8x256xf32> to vector<8x256x1xf32>
    %reduce_max3A_190 = arith.constant dense<0xFF800000> : vector<8x1xf32>
    %reduce_max3A_191 = vector.multi_reduction <maximumf>, %broadcast_in_dim3A_189, %reduce_max3A_190 [1] : vector<8x256x1xf32> to vector<8x1xf32>
    %broadcast_in_dim3A_192 = vector.shape_cast %reduce_max3A_191 : vector<8x1xf32> to vector<8x1x1xf32>
    %eq3A_193 = vector.broadcast %broadcast_in_dim3A_192 : vector<8x1x1xf32> to vector<8x256x128xf32>
    %eq3A_194 = arith.cmpf oeq, %select_n3A_186, %eq3A_193 : vector<8x256x128xf32>
    %jit3A_195 = arith.constant 32768 : i32
    %broadcast_in_dim3A_196 = vector.shape_cast %add3A : vector<1x256x128xi32> to vector<1x256x128xi32>
    %broadcast_in_dim3A_197 = vector.broadcast %broadcast_in_dim3A_196 : vector<1x256x128xi32> to vector<8x256x128xi32>
    %broadcast_in_dim3A_198 = vector.broadcast %jit3A_195 : i32 to vector<8x256x128xi32>
    %select_n3A_199 = arith.select %eq3A_194, %broadcast_in_dim3A_197, %broadcast_in_dim3A_198 : vector<8x256x128xi1>, vector<8x256x128xi32>
    %reduce_min3A_200 = arith.constant dense<2147483647> : vector<8x256xi32>
    %reduce_min3A_201 = vector.multi_reduction <minsi>, %select_n3A_199, %reduce_min3A_200 [2] : vector<8x256x128xi32> to vector<8x256xi32>
    %broadcast_in_dim3A_202 = vector.shape_cast %reduce_min3A_201 : vector<8x256xi32> to vector<8x256x1xi32>
    %reduce_min3A_203 = arith.constant dense<2147483647> : vector<8x1xi32>
    %reduce_min3A_204 = vector.multi_reduction <minsi>, %broadcast_in_dim3A_202, %reduce_min3A_203 [1] : vector<8x256x1xi32> to vector<8x1xi32>
    %broadcast_in_dim3A_205 = vector.shape_cast %reduce_min3A_204 : vector<8x1xi32> to vector<8x1x1xi32>
    %eq3A_206 = arith.constant 5 : i32
    %eq3A_207 = vector.broadcast %eq3A_206 : i32 to vector<8x1x16xi32>
    %eq3A_208 = arith.cmpi eq, %iota3A_28, %eq3A_207 : vector<8x1x16xi32>
    %add3A_209 = arith.addi %mul3A_27, %broadcast_in_dim3A_205 : vector<8x1x1xi32>
    %broadcast_in_dim3A_210 = vector.shape_cast %add3A_209 : vector<8x1x1xi32> to vector<8x1x1xi32>
    %broadcast_in_dim3A_211 = vector.broadcast %broadcast_in_dim3A_210 : vector<8x1x1xi32> to vector<8x1x16xi32>
    %select_n3A_212 = arith.select %eq3A_208, %broadcast_in_dim3A_211, %select_n3A_180 : vector<8x1x16xi1>, vector<8x1x16xi32>
    %eq3A_213 = vector.broadcast %add3A : vector<1x256x128xi32> to vector<8x256x128xi32>
    %eq3A_214 = vector.broadcast %broadcast_in_dim3A_205 : vector<8x1x1xi32> to vector<8x256x128xi32>
    %eq3A_215 = arith.cmpi eq, %eq3A_213, %eq3A_214 : vector<8x256x128xi32>
    %jit3A_216 = arith.constant -3.000000e+38 : f32
    %broadcast_in_dim3A_217 = vector.broadcast %jit3A_216 : f32 to vector<8x256x128xf32>
    %select_n3A_218 = arith.select %eq3A_215, %broadcast_in_dim3A_217, %select_n3A_186 : vector<8x256x128xi1>, vector<8x256x128xf32>
    %reduce_max3A_219 = arith.constant dense<0xFF800000> : vector<8x256xf32>
    %reduce_max3A_220 = vector.multi_reduction <maximumf>, %select_n3A_218, %reduce_max3A_219 [2] : vector<8x256x128xf32> to vector<8x256xf32>
    %broadcast_in_dim3A_221 = vector.shape_cast %reduce_max3A_220 : vector<8x256xf32> to vector<8x256x1xf32>
    %reduce_max3A_222 = arith.constant dense<0xFF800000> : vector<8x1xf32>
    %reduce_max3A_223 = vector.multi_reduction <maximumf>, %broadcast_in_dim3A_221, %reduce_max3A_222 [1] : vector<8x256x1xf32> to vector<8x1xf32>
    %broadcast_in_dim3A_224 = vector.shape_cast %reduce_max3A_223 : vector<8x1xf32> to vector<8x1x1xf32>
    %eq3A_225 = vector.broadcast %broadcast_in_dim3A_224 : vector<8x1x1xf32> to vector<8x256x128xf32>
    %eq3A_226 = arith.cmpf oeq, %select_n3A_218, %eq3A_225 : vector<8x256x128xf32>
    %jit3A_227 = arith.constant 32768 : i32
    %broadcast_in_dim3A_228 = vector.shape_cast %add3A : vector<1x256x128xi32> to vector<1x256x128xi32>
    %broadcast_in_dim3A_229 = vector.broadcast %broadcast_in_dim3A_228 : vector<1x256x128xi32> to vector<8x256x128xi32>
    %broadcast_in_dim3A_230 = vector.broadcast %jit3A_227 : i32 to vector<8x256x128xi32>
    %select_n3A_231 = arith.select %eq3A_226, %broadcast_in_dim3A_229, %broadcast_in_dim3A_230 : vector<8x256x128xi1>, vector<8x256x128xi32>
    %reduce_min3A_232 = arith.constant dense<2147483647> : vector<8x256xi32>
    %reduce_min3A_233 = vector.multi_reduction <minsi>, %select_n3A_231, %reduce_min3A_232 [2] : vector<8x256x128xi32> to vector<8x256xi32>
    %broadcast_in_dim3A_234 = vector.shape_cast %reduce_min3A_233 : vector<8x256xi32> to vector<8x256x1xi32>
    %reduce_min3A_235 = arith.constant dense<2147483647> : vector<8x1xi32>
    %reduce_min3A_236 = vector.multi_reduction <minsi>, %broadcast_in_dim3A_234, %reduce_min3A_235 [1] : vector<8x256x1xi32> to vector<8x1xi32>
    %broadcast_in_dim3A_237 = vector.shape_cast %reduce_min3A_236 : vector<8x1xi32> to vector<8x1x1xi32>
    %eq3A_238 = arith.constant 6 : i32
    %eq3A_239 = vector.broadcast %eq3A_238 : i32 to vector<8x1x16xi32>
    %eq3A_240 = arith.cmpi eq, %iota3A_28, %eq3A_239 : vector<8x1x16xi32>
    %add3A_241 = arith.addi %mul3A_27, %broadcast_in_dim3A_237 : vector<8x1x1xi32>
    %broadcast_in_dim3A_242 = vector.shape_cast %add3A_241 : vector<8x1x1xi32> to vector<8x1x1xi32>
    %broadcast_in_dim3A_243 = vector.broadcast %broadcast_in_dim3A_242 : vector<8x1x1xi32> to vector<8x1x16xi32>
    %select_n3A_244 = arith.select %eq3A_240, %broadcast_in_dim3A_243, %select_n3A_212 : vector<8x1x16xi1>, vector<8x1x16xi32>
    %eq3A_245 = vector.broadcast %add3A : vector<1x256x128xi32> to vector<8x256x128xi32>
    %eq3A_246 = vector.broadcast %broadcast_in_dim3A_237 : vector<8x1x1xi32> to vector<8x256x128xi32>
    %eq3A_247 = arith.cmpi eq, %eq3A_245, %eq3A_246 : vector<8x256x128xi32>
    %jit3A_248 = arith.constant -3.000000e+38 : f32
    %broadcast_in_dim3A_249 = vector.broadcast %jit3A_248 : f32 to vector<8x256x128xf32>
    %select_n3A_250 = arith.select %eq3A_247, %broadcast_in_dim3A_249, %select_n3A_218 : vector<8x256x128xi1>, vector<8x256x128xf32>
    %reduce_max3A_251 = arith.constant dense<0xFF800000> : vector<8x256xf32>
    %reduce_max3A_252 = vector.multi_reduction <maximumf>, %select_n3A_250, %reduce_max3A_251 [2] : vector<8x256x128xf32> to vector<8x256xf32>
    %broadcast_in_dim3A_253 = vector.shape_cast %reduce_max3A_252 : vector<8x256xf32> to vector<8x256x1xf32>
    %reduce_max3A_254 = arith.constant dense<0xFF800000> : vector<8x1xf32>
    %reduce_max3A_255 = vector.multi_reduction <maximumf>, %broadcast_in_dim3A_253, %reduce_max3A_254 [1] : vector<8x256x1xf32> to vector<8x1xf32>
    %broadcast_in_dim3A_256 = vector.shape_cast %reduce_max3A_255 : vector<8x1xf32> to vector<8x1x1xf32>
    %eq3A_257 = vector.broadcast %broadcast_in_dim3A_256 : vector<8x1x1xf32> to vector<8x256x128xf32>
    %eq3A_258 = arith.cmpf oeq, %select_n3A_250, %eq3A_257 : vector<8x256x128xf32>
    %jit3A_259 = arith.constant 32768 : i32
    %broadcast_in_dim3A_260 = vector.shape_cast %add3A : vector<1x256x128xi32> to vector<1x256x128xi32>
    %broadcast_in_dim3A_261 = vector.broadcast %broadcast_in_dim3A_260 : vector<1x256x128xi32> to vector<8x256x128xi32>
    %broadcast_in_dim3A_262 = vector.broadcast %jit3A_259 : i32 to vector<8x256x128xi32>
    %select_n3A_263 = arith.select %eq3A_258, %broadcast_in_dim3A_261, %broadcast_in_dim3A_262 : vector<8x256x128xi1>, vector<8x256x128xi32>
    %reduce_min3A_264 = arith.constant dense<2147483647> : vector<8x256xi32>
    %reduce_min3A_265 = vector.multi_reduction <minsi>, %select_n3A_263, %reduce_min3A_264 [2] : vector<8x256x128xi32> to vector<8x256xi32>
    %broadcast_in_dim3A_266 = vector.shape_cast %reduce_min3A_265 : vector<8x256xi32> to vector<8x256x1xi32>
    %reduce_min3A_267 = arith.constant dense<2147483647> : vector<8x1xi32>
    %reduce_min3A_268 = vector.multi_reduction <minsi>, %broadcast_in_dim3A_266, %reduce_min3A_267 [1] : vector<8x256x1xi32> to vector<8x1xi32>
    %broadcast_in_dim3A_269 = vector.shape_cast %reduce_min3A_268 : vector<8x1xi32> to vector<8x1x1xi32>
    %eq3A_270 = arith.constant 7 : i32
    %eq3A_271 = vector.broadcast %eq3A_270 : i32 to vector<8x1x16xi32>
    %eq3A_272 = arith.cmpi eq, %iota3A_28, %eq3A_271 : vector<8x1x16xi32>
    %add3A_273 = arith.addi %mul3A_27, %broadcast_in_dim3A_269 : vector<8x1x1xi32>
    %broadcast_in_dim3A_274 = vector.shape_cast %add3A_273 : vector<8x1x1xi32> to vector<8x1x1xi32>
    %broadcast_in_dim3A_275 = vector.broadcast %broadcast_in_dim3A_274 : vector<8x1x1xi32> to vector<8x1x16xi32>
    %select_n3A_276 = arith.select %eq3A_272, %broadcast_in_dim3A_275, %select_n3A_244 : vector<8x1x16xi1>, vector<8x1x16xi32>
    %eq3A_277 = vector.broadcast %add3A : vector<1x256x128xi32> to vector<8x256x128xi32>
    %eq3A_278 = vector.broadcast %broadcast_in_dim3A_269 : vector<8x1x1xi32> to vector<8x256x128xi32>
    %eq3A_279 = arith.cmpi eq, %eq3A_277, %eq3A_278 : vector<8x256x128xi32>
    %jit3A_280 = arith.constant -3.000000e+38 : f32
    %broadcast_in_dim3A_281 = vector.broadcast %jit3A_280 : f32 to vector<8x256x128xf32>
    %select_n3A_282 = arith.select %eq3A_279, %broadcast_in_dim3A_281, %select_n3A_250 : vector<8x256x128xi1>, vector<8x256x128xf32>
    %reduce_max3A_283 = arith.constant dense<0xFF800000> : vector<8x256xf32>
    %reduce_max3A_284 = vector.multi_reduction <maximumf>, %select_n3A_282, %reduce_max3A_283 [2] : vector<8x256x128xf32> to vector<8x256xf32>
    %broadcast_in_dim3A_285 = vector.shape_cast %reduce_max3A_284 : vector<8x256xf32> to vector<8x256x1xf32>
    %reduce_max3A_286 = arith.constant dense<0xFF800000> : vector<8x1xf32>
    %reduce_max3A_287 = vector.multi_reduction <maximumf>, %broadcast_in_dim3A_285, %reduce_max3A_286 [1] : vector<8x256x1xf32> to vector<8x1xf32>
    %broadcast_in_dim3A_288 = vector.shape_cast %reduce_max3A_287 : vector<8x1xf32> to vector<8x1x1xf32>
    %eq3A_289 = vector.broadcast %broadcast_in_dim3A_288 : vector<8x1x1xf32> to vector<8x256x128xf32>
    %eq3A_290 = arith.cmpf oeq, %select_n3A_282, %eq3A_289 : vector<8x256x128xf32>
    %jit3A_291 = arith.constant 32768 : i32
    %broadcast_in_dim3A_292 = vector.shape_cast %add3A : vector<1x256x128xi32> to vector<1x256x128xi32>
    %broadcast_in_dim3A_293 = vector.broadcast %broadcast_in_dim3A_292 : vector<1x256x128xi32> to vector<8x256x128xi32>
    %broadcast_in_dim3A_294 = vector.broadcast %jit3A_291 : i32 to vector<8x256x128xi32>
    %select_n3A_295 = arith.select %eq3A_290, %broadcast_in_dim3A_293, %broadcast_in_dim3A_294 : vector<8x256x128xi1>, vector<8x256x128xi32>
    %reduce_min3A_296 = arith.constant dense<2147483647> : vector<8x256xi32>
    %reduce_min3A_297 = vector.multi_reduction <minsi>, %select_n3A_295, %reduce_min3A_296 [2] : vector<8x256x128xi32> to vector<8x256xi32>
    %broadcast_in_dim3A_298 = vector.shape_cast %reduce_min3A_297 : vector<8x256xi32> to vector<8x256x1xi32>
    %reduce_min3A_299 = arith.constant dense<2147483647> : vector<8x1xi32>
    %reduce_min3A_300 = vector.multi_reduction <minsi>, %broadcast_in_dim3A_298, %reduce_min3A_299 [1] : vector<8x256x1xi32> to vector<8x1xi32>
    %broadcast_in_dim3A_301 = vector.shape_cast %reduce_min3A_300 : vector<8x1xi32> to vector<8x1x1xi32>
    %eq3A_302 = arith.constant 8 : i32
    %eq3A_303 = vector.broadcast %eq3A_302 : i32 to vector<8x1x16xi32>
    %eq3A_304 = arith.cmpi eq, %iota3A_28, %eq3A_303 : vector<8x1x16xi32>
    %add3A_305 = arith.addi %mul3A_27, %broadcast_in_dim3A_301 : vector<8x1x1xi32>
    %broadcast_in_dim3A_306 = vector.shape_cast %add3A_305 : vector<8x1x1xi32> to vector<8x1x1xi32>
    %broadcast_in_dim3A_307 = vector.broadcast %broadcast_in_dim3A_306 : vector<8x1x1xi32> to vector<8x1x16xi32>
    %select_n3A_308 = arith.select %eq3A_304, %broadcast_in_dim3A_307, %select_n3A_276 : vector<8x1x16xi1>, vector<8x1x16xi32>
    %eq3A_309 = vector.broadcast %add3A : vector<1x256x128xi32> to vector<8x256x128xi32>
    %eq3A_310 = vector.broadcast %broadcast_in_dim3A_301 : vector<8x1x1xi32> to vector<8x256x128xi32>
    %eq3A_311 = arith.cmpi eq, %eq3A_309, %eq3A_310 : vector<8x256x128xi32>
    %jit3A_312 = arith.constant -3.000000e+38 : f32
    %broadcast_in_dim3A_313 = vector.broadcast %jit3A_312 : f32 to vector<8x256x128xf32>
    %select_n3A_314 = arith.select %eq3A_311, %broadcast_in_dim3A_313, %select_n3A_282 : vector<8x256x128xi1>, vector<8x256x128xf32>
    %reduce_max3A_315 = arith.constant dense<0xFF800000> : vector<8x256xf32>
    %reduce_max3A_316 = vector.multi_reduction <maximumf>, %select_n3A_314, %reduce_max3A_315 [2] : vector<8x256x128xf32> to vector<8x256xf32>
    %broadcast_in_dim3A_317 = vector.shape_cast %reduce_max3A_316 : vector<8x256xf32> to vector<8x256x1xf32>
    %reduce_max3A_318 = arith.constant dense<0xFF800000> : vector<8x1xf32>
    %reduce_max3A_319 = vector.multi_reduction <maximumf>, %broadcast_in_dim3A_317, %reduce_max3A_318 [1] : vector<8x256x1xf32> to vector<8x1xf32>
    %broadcast_in_dim3A_320 = vector.shape_cast %reduce_max3A_319 : vector<8x1xf32> to vector<8x1x1xf32>
    %eq3A_321 = vector.broadcast %broadcast_in_dim3A_320 : vector<8x1x1xf32> to vector<8x256x128xf32>
    %eq3A_322 = arith.cmpf oeq, %select_n3A_314, %eq3A_321 : vector<8x256x128xf32>
    %jit3A_323 = arith.constant 32768 : i32
    %broadcast_in_dim3A_324 = vector.shape_cast %add3A : vector<1x256x128xi32> to vector<1x256x128xi32>
    %broadcast_in_dim3A_325 = vector.broadcast %broadcast_in_dim3A_324 : vector<1x256x128xi32> to vector<8x256x128xi32>
    %broadcast_in_dim3A_326 = vector.broadcast %jit3A_323 : i32 to vector<8x256x128xi32>
    %select_n3A_327 = arith.select %eq3A_322, %broadcast_in_dim3A_325, %broadcast_in_dim3A_326 : vector<8x256x128xi1>, vector<8x256x128xi32>
    %reduce_min3A_328 = arith.constant dense<2147483647> : vector<8x256xi32>
    %reduce_min3A_329 = vector.multi_reduction <minsi>, %select_n3A_327, %reduce_min3A_328 [2] : vector<8x256x128xi32> to vector<8x256xi32>
    %broadcast_in_dim3A_330 = vector.shape_cast %reduce_min3A_329 : vector<8x256xi32> to vector<8x256x1xi32>
    %reduce_min3A_331 = arith.constant dense<2147483647> : vector<8x1xi32>
    %reduce_min3A_332 = vector.multi_reduction <minsi>, %broadcast_in_dim3A_330, %reduce_min3A_331 [1] : vector<8x256x1xi32> to vector<8x1xi32>
    %broadcast_in_dim3A_333 = vector.shape_cast %reduce_min3A_332 : vector<8x1xi32> to vector<8x1x1xi32>
    %eq3A_334 = arith.constant 9 : i32
    %eq3A_335 = vector.broadcast %eq3A_334 : i32 to vector<8x1x16xi32>
    %eq3A_336 = arith.cmpi eq, %iota3A_28, %eq3A_335 : vector<8x1x16xi32>
    %add3A_337 = arith.addi %mul3A_27, %broadcast_in_dim3A_333 : vector<8x1x1xi32>
    %broadcast_in_dim3A_338 = vector.shape_cast %add3A_337 : vector<8x1x1xi32> to vector<8x1x1xi32>
    %broadcast_in_dim3A_339 = vector.broadcast %broadcast_in_dim3A_338 : vector<8x1x1xi32> to vector<8x1x16xi32>
    %select_n3A_340 = arith.select %eq3A_336, %broadcast_in_dim3A_339, %select_n3A_308 : vector<8x1x16xi1>, vector<8x1x16xi32>
    %eq3A_341 = vector.broadcast %add3A : vector<1x256x128xi32> to vector<8x256x128xi32>
    %eq3A_342 = vector.broadcast %broadcast_in_dim3A_333 : vector<8x1x1xi32> to vector<8x256x128xi32>
    %eq3A_343 = arith.cmpi eq, %eq3A_341, %eq3A_342 : vector<8x256x128xi32>
    %jit3A_344 = arith.constant -3.000000e+38 : f32
    %broadcast_in_dim3A_345 = vector.broadcast %jit3A_344 : f32 to vector<8x256x128xf32>
    %select_n3A_346 = arith.select %eq3A_343, %broadcast_in_dim3A_345, %select_n3A_314 : vector<8x256x128xi1>, vector<8x256x128xf32>
    %reduce_max3A_347 = arith.constant dense<0xFF800000> : vector<8x256xf32>
    %reduce_max3A_348 = vector.multi_reduction <maximumf>, %select_n3A_346, %reduce_max3A_347 [2] : vector<8x256x128xf32> to vector<8x256xf32>
    %broadcast_in_dim3A_349 = vector.shape_cast %reduce_max3A_348 : vector<8x256xf32> to vector<8x256x1xf32>
    %reduce_max3A_350 = arith.constant dense<0xFF800000> : vector<8x1xf32>
    %reduce_max3A_351 = vector.multi_reduction <maximumf>, %broadcast_in_dim3A_349, %reduce_max3A_350 [1] : vector<8x256x1xf32> to vector<8x1xf32>
    %broadcast_in_dim3A_352 = vector.shape_cast %reduce_max3A_351 : vector<8x1xf32> to vector<8x1x1xf32>
    %eq3A_353 = vector.broadcast %broadcast_in_dim3A_352 : vector<8x1x1xf32> to vector<8x256x128xf32>
    %eq3A_354 = arith.cmpf oeq, %select_n3A_346, %eq3A_353 : vector<8x256x128xf32>
    %jit3A_355 = arith.constant 32768 : i32
    %broadcast_in_dim3A_356 = vector.shape_cast %add3A : vector<1x256x128xi32> to vector<1x256x128xi32>
    %broadcast_in_dim3A_357 = vector.broadcast %broadcast_in_dim3A_356 : vector<1x256x128xi32> to vector<8x256x128xi32>
    %broadcast_in_dim3A_358 = vector.broadcast %jit3A_355 : i32 to vector<8x256x128xi32>
    %select_n3A_359 = arith.select %eq3A_354, %broadcast_in_dim3A_357, %broadcast_in_dim3A_358 : vector<8x256x128xi1>, vector<8x256x128xi32>
    %reduce_min3A_360 = arith.constant dense<2147483647> : vector<8x256xi32>
    %reduce_min3A_361 = vector.multi_reduction <minsi>, %select_n3A_359, %reduce_min3A_360 [2] : vector<8x256x128xi32> to vector<8x256xi32>
    %broadcast_in_dim3A_362 = vector.shape_cast %reduce_min3A_361 : vector<8x256xi32> to vector<8x256x1xi32>
    %reduce_min3A_363 = arith.constant dense<2147483647> : vector<8x1xi32>
    %reduce_min3A_364 = vector.multi_reduction <minsi>, %broadcast_in_dim3A_362, %reduce_min3A_363 [1] : vector<8x256x1xi32> to vector<8x1xi32>
    %broadcast_in_dim3A_365 = vector.shape_cast %reduce_min3A_364 : vector<8x1xi32> to vector<8x1x1xi32>
    %eq3A_366 = arith.constant 10 : i32
    %eq3A_367 = vector.broadcast %eq3A_366 : i32 to vector<8x1x16xi32>
    %eq3A_368 = arith.cmpi eq, %iota3A_28, %eq3A_367 : vector<8x1x16xi32>
    %add3A_369 = arith.addi %mul3A_27, %broadcast_in_dim3A_365 : vector<8x1x1xi32>
    %broadcast_in_dim3A_370 = vector.shape_cast %add3A_369 : vector<8x1x1xi32> to vector<8x1x1xi32>
    %broadcast_in_dim3A_371 = vector.broadcast %broadcast_in_dim3A_370 : vector<8x1x1xi32> to vector<8x1x16xi32>
    %select_n3A_372 = arith.select %eq3A_368, %broadcast_in_dim3A_371, %select_n3A_340 : vector<8x1x16xi1>, vector<8x1x16xi32>
    %eq3A_373 = vector.broadcast %add3A : vector<1x256x128xi32> to vector<8x256x128xi32>
    %eq3A_374 = vector.broadcast %broadcast_in_dim3A_365 : vector<8x1x1xi32> to vector<8x256x128xi32>
    %eq3A_375 = arith.cmpi eq, %eq3A_373, %eq3A_374 : vector<8x256x128xi32>
    %jit3A_376 = arith.constant -3.000000e+38 : f32
    %broadcast_in_dim3A_377 = vector.broadcast %jit3A_376 : f32 to vector<8x256x128xf32>
    %select_n3A_378 = arith.select %eq3A_375, %broadcast_in_dim3A_377, %select_n3A_346 : vector<8x256x128xi1>, vector<8x256x128xf32>
    %reduce_max3A_379 = arith.constant dense<0xFF800000> : vector<8x256xf32>
    %reduce_max3A_380 = vector.multi_reduction <maximumf>, %select_n3A_378, %reduce_max3A_379 [2] : vector<8x256x128xf32> to vector<8x256xf32>
    %broadcast_in_dim3A_381 = vector.shape_cast %reduce_max3A_380 : vector<8x256xf32> to vector<8x256x1xf32>
    %reduce_max3A_382 = arith.constant dense<0xFF800000> : vector<8x1xf32>
    %reduce_max3A_383 = vector.multi_reduction <maximumf>, %broadcast_in_dim3A_381, %reduce_max3A_382 [1] : vector<8x256x1xf32> to vector<8x1xf32>
    %broadcast_in_dim3A_384 = vector.shape_cast %reduce_max3A_383 : vector<8x1xf32> to vector<8x1x1xf32>
    %eq3A_385 = vector.broadcast %broadcast_in_dim3A_384 : vector<8x1x1xf32> to vector<8x256x128xf32>
    %eq3A_386 = arith.cmpf oeq, %select_n3A_378, %eq3A_385 : vector<8x256x128xf32>
    %jit3A_387 = arith.constant 32768 : i32
    %broadcast_in_dim3A_388 = vector.shape_cast %add3A : vector<1x256x128xi32> to vector<1x256x128xi32>
    %broadcast_in_dim3A_389 = vector.broadcast %broadcast_in_dim3A_388 : vector<1x256x128xi32> to vector<8x256x128xi32>
    %broadcast_in_dim3A_390 = vector.broadcast %jit3A_387 : i32 to vector<8x256x128xi32>
    %select_n3A_391 = arith.select %eq3A_386, %broadcast_in_dim3A_389, %broadcast_in_dim3A_390 : vector<8x256x128xi1>, vector<8x256x128xi32>
    %reduce_min3A_392 = arith.constant dense<2147483647> : vector<8x256xi32>
    %reduce_min3A_393 = vector.multi_reduction <minsi>, %select_n3A_391, %reduce_min3A_392 [2] : vector<8x256x128xi32> to vector<8x256xi32>
    %broadcast_in_dim3A_394 = vector.shape_cast %reduce_min3A_393 : vector<8x256xi32> to vector<8x256x1xi32>
    %reduce_min3A_395 = arith.constant dense<2147483647> : vector<8x1xi32>
    %reduce_min3A_396 = vector.multi_reduction <minsi>, %broadcast_in_dim3A_394, %reduce_min3A_395 [1] : vector<8x256x1xi32> to vector<8x1xi32>
    %broadcast_in_dim3A_397 = vector.shape_cast %reduce_min3A_396 : vector<8x1xi32> to vector<8x1x1xi32>
    %eq3A_398 = arith.constant 11 : i32
    %eq3A_399 = vector.broadcast %eq3A_398 : i32 to vector<8x1x16xi32>
    %eq3A_400 = arith.cmpi eq, %iota3A_28, %eq3A_399 : vector<8x1x16xi32>
    %add3A_401 = arith.addi %mul3A_27, %broadcast_in_dim3A_397 : vector<8x1x1xi32>
    %broadcast_in_dim3A_402 = vector.shape_cast %add3A_401 : vector<8x1x1xi32> to vector<8x1x1xi32>
    %broadcast_in_dim3A_403 = vector.broadcast %broadcast_in_dim3A_402 : vector<8x1x1xi32> to vector<8x1x16xi32>
    %select_n3A_404 = arith.select %eq3A_400, %broadcast_in_dim3A_403, %select_n3A_372 : vector<8x1x16xi1>, vector<8x1x16xi32>
    %eq3A_405 = vector.broadcast %add3A : vector<1x256x128xi32> to vector<8x256x128xi32>
    %eq3A_406 = vector.broadcast %broadcast_in_dim3A_397 : vector<8x1x1xi32> to vector<8x256x128xi32>
    %eq3A_407 = arith.cmpi eq, %eq3A_405, %eq3A_406 : vector<8x256x128xi32>
    %jit3A_408 = arith.constant -3.000000e+38 : f32
    %broadcast_in_dim3A_409 = vector.broadcast %jit3A_408 : f32 to vector<8x256x128xf32>
    %select_n3A_410 = arith.select %eq3A_407, %broadcast_in_dim3A_409, %select_n3A_378 : vector<8x256x128xi1>, vector<8x256x128xf32>
    %reduce_max3A_411 = arith.constant dense<0xFF800000> : vector<8x256xf32>
    %reduce_max3A_412 = vector.multi_reduction <maximumf>, %select_n3A_410, %reduce_max3A_411 [2] : vector<8x256x128xf32> to vector<8x256xf32>
    %broadcast_in_dim3A_413 = vector.shape_cast %reduce_max3A_412 : vector<8x256xf32> to vector<8x256x1xf32>
    %reduce_max3A_414 = arith.constant dense<0xFF800000> : vector<8x1xf32>
    %reduce_max3A_415 = vector.multi_reduction <maximumf>, %broadcast_in_dim3A_413, %reduce_max3A_414 [1] : vector<8x256x1xf32> to vector<8x1xf32>
    %broadcast_in_dim3A_416 = vector.shape_cast %reduce_max3A_415 : vector<8x1xf32> to vector<8x1x1xf32>
    %eq3A_417 = vector.broadcast %broadcast_in_dim3A_416 : vector<8x1x1xf32> to vector<8x256x128xf32>
    %eq3A_418 = arith.cmpf oeq, %select_n3A_410, %eq3A_417 : vector<8x256x128xf32>
    %jit3A_419 = arith.constant 32768 : i32
    %broadcast_in_dim3A_420 = vector.shape_cast %add3A : vector<1x256x128xi32> to vector<1x256x128xi32>
    %broadcast_in_dim3A_421 = vector.broadcast %broadcast_in_dim3A_420 : vector<1x256x128xi32> to vector<8x256x128xi32>
    %broadcast_in_dim3A_422 = vector.broadcast %jit3A_419 : i32 to vector<8x256x128xi32>
    %select_n3A_423 = arith.select %eq3A_418, %broadcast_in_dim3A_421, %broadcast_in_dim3A_422 : vector<8x256x128xi1>, vector<8x256x128xi32>
    %reduce_min3A_424 = arith.constant dense<2147483647> : vector<8x256xi32>
    %reduce_min3A_425 = vector.multi_reduction <minsi>, %select_n3A_423, %reduce_min3A_424 [2] : vector<8x256x128xi32> to vector<8x256xi32>
    %broadcast_in_dim3A_426 = vector.shape_cast %reduce_min3A_425 : vector<8x256xi32> to vector<8x256x1xi32>
    %reduce_min3A_427 = arith.constant dense<2147483647> : vector<8x1xi32>
    %reduce_min3A_428 = vector.multi_reduction <minsi>, %broadcast_in_dim3A_426, %reduce_min3A_427 [1] : vector<8x256x1xi32> to vector<8x1xi32>
    %broadcast_in_dim3A_429 = vector.shape_cast %reduce_min3A_428 : vector<8x1xi32> to vector<8x1x1xi32>
    %eq3A_430 = arith.constant 12 : i32
    %eq3A_431 = vector.broadcast %eq3A_430 : i32 to vector<8x1x16xi32>
    %eq3A_432 = arith.cmpi eq, %iota3A_28, %eq3A_431 : vector<8x1x16xi32>
    %add3A_433 = arith.addi %mul3A_27, %broadcast_in_dim3A_429 : vector<8x1x1xi32>
    %broadcast_in_dim3A_434 = vector.shape_cast %add3A_433 : vector<8x1x1xi32> to vector<8x1x1xi32>
    %broadcast_in_dim3A_435 = vector.broadcast %broadcast_in_dim3A_434 : vector<8x1x1xi32> to vector<8x1x16xi32>
    %select_n3A_436 = arith.select %eq3A_432, %broadcast_in_dim3A_435, %select_n3A_404 : vector<8x1x16xi1>, vector<8x1x16xi32>
    %eq3A_437 = vector.broadcast %add3A : vector<1x256x128xi32> to vector<8x256x128xi32>
    %eq3A_438 = vector.broadcast %broadcast_in_dim3A_429 : vector<8x1x1xi32> to vector<8x256x128xi32>
    %eq3A_439 = arith.cmpi eq, %eq3A_437, %eq3A_438 : vector<8x256x128xi32>
    %jit3A_440 = arith.constant -3.000000e+38 : f32
    %broadcast_in_dim3A_441 = vector.broadcast %jit3A_440 : f32 to vector<8x256x128xf32>
    %select_n3A_442 = arith.select %eq3A_439, %broadcast_in_dim3A_441, %select_n3A_410 : vector<8x256x128xi1>, vector<8x256x128xf32>
    %reduce_max3A_443 = arith.constant dense<0xFF800000> : vector<8x256xf32>
    %reduce_max3A_444 = vector.multi_reduction <maximumf>, %select_n3A_442, %reduce_max3A_443 [2] : vector<8x256x128xf32> to vector<8x256xf32>
    %broadcast_in_dim3A_445 = vector.shape_cast %reduce_max3A_444 : vector<8x256xf32> to vector<8x256x1xf32>
    %reduce_max3A_446 = arith.constant dense<0xFF800000> : vector<8x1xf32>
    %reduce_max3A_447 = vector.multi_reduction <maximumf>, %broadcast_in_dim3A_445, %reduce_max3A_446 [1] : vector<8x256x1xf32> to vector<8x1xf32>
    %broadcast_in_dim3A_448 = vector.shape_cast %reduce_max3A_447 : vector<8x1xf32> to vector<8x1x1xf32>
    %eq3A_449 = vector.broadcast %broadcast_in_dim3A_448 : vector<8x1x1xf32> to vector<8x256x128xf32>
    %eq3A_450 = arith.cmpf oeq, %select_n3A_442, %eq3A_449 : vector<8x256x128xf32>
    %jit3A_451 = arith.constant 32768 : i32
    %broadcast_in_dim3A_452 = vector.shape_cast %add3A : vector<1x256x128xi32> to vector<1x256x128xi32>
    %broadcast_in_dim3A_453 = vector.broadcast %broadcast_in_dim3A_452 : vector<1x256x128xi32> to vector<8x256x128xi32>
    %broadcast_in_dim3A_454 = vector.broadcast %jit3A_451 : i32 to vector<8x256x128xi32>
    %select_n3A_455 = arith.select %eq3A_450, %broadcast_in_dim3A_453, %broadcast_in_dim3A_454 : vector<8x256x128xi1>, vector<8x256x128xi32>
    %reduce_min3A_456 = arith.constant dense<2147483647> : vector<8x256xi32>
    %reduce_min3A_457 = vector.multi_reduction <minsi>, %select_n3A_455, %reduce_min3A_456 [2] : vector<8x256x128xi32> to vector<8x256xi32>
    %broadcast_in_dim3A_458 = vector.shape_cast %reduce_min3A_457 : vector<8x256xi32> to vector<8x256x1xi32>
    %reduce_min3A_459 = arith.constant dense<2147483647> : vector<8x1xi32>
    %reduce_min3A_460 = vector.multi_reduction <minsi>, %broadcast_in_dim3A_458, %reduce_min3A_459 [1] : vector<8x256x1xi32> to vector<8x1xi32>
    %broadcast_in_dim3A_461 = vector.shape_cast %reduce_min3A_460 : vector<8x1xi32> to vector<8x1x1xi32>
    %eq3A_462 = arith.constant 13 : i32
    %eq3A_463 = vector.broadcast %eq3A_462 : i32 to vector<8x1x16xi32>
    %eq3A_464 = arith.cmpi eq, %iota3A_28, %eq3A_463 : vector<8x1x16xi32>
    %add3A_465 = arith.addi %mul3A_27, %broadcast_in_dim3A_461 : vector<8x1x1xi32>
    %broadcast_in_dim3A_466 = vector.shape_cast %add3A_465 : vector<8x1x1xi32> to vector<8x1x1xi32>
    %broadcast_in_dim3A_467 = vector.broadcast %broadcast_in_dim3A_466 : vector<8x1x1xi32> to vector<8x1x16xi32>
    %select_n3A_468 = arith.select %eq3A_464, %broadcast_in_dim3A_467, %select_n3A_436 : vector<8x1x16xi1>, vector<8x1x16xi32>
    %eq3A_469 = vector.broadcast %add3A : vector<1x256x128xi32> to vector<8x256x128xi32>
    %eq3A_470 = vector.broadcast %broadcast_in_dim3A_461 : vector<8x1x1xi32> to vector<8x256x128xi32>
    %eq3A_471 = arith.cmpi eq, %eq3A_469, %eq3A_470 : vector<8x256x128xi32>
    %jit3A_472 = arith.constant -3.000000e+38 : f32
    %broadcast_in_dim3A_473 = vector.broadcast %jit3A_472 : f32 to vector<8x256x128xf32>
    %select_n3A_474 = arith.select %eq3A_471, %broadcast_in_dim3A_473, %select_n3A_442 : vector<8x256x128xi1>, vector<8x256x128xf32>
    %reduce_max3A_475 = arith.constant dense<0xFF800000> : vector<8x256xf32>
    %reduce_max3A_476 = vector.multi_reduction <maximumf>, %select_n3A_474, %reduce_max3A_475 [2] : vector<8x256x128xf32> to vector<8x256xf32>
    %broadcast_in_dim3A_477 = vector.shape_cast %reduce_max3A_476 : vector<8x256xf32> to vector<8x256x1xf32>
    %reduce_max3A_478 = arith.constant dense<0xFF800000> : vector<8x1xf32>
    %reduce_max3A_479 = vector.multi_reduction <maximumf>, %broadcast_in_dim3A_477, %reduce_max3A_478 [1] : vector<8x256x1xf32> to vector<8x1xf32>
    %broadcast_in_dim3A_480 = vector.shape_cast %reduce_max3A_479 : vector<8x1xf32> to vector<8x1x1xf32>
    %eq3A_481 = vector.broadcast %broadcast_in_dim3A_480 : vector<8x1x1xf32> to vector<8x256x128xf32>
    %eq3A_482 = arith.cmpf oeq, %select_n3A_474, %eq3A_481 : vector<8x256x128xf32>
    %jit3A_483 = arith.constant 32768 : i32
    %broadcast_in_dim3A_484 = vector.shape_cast %add3A : vector<1x256x128xi32> to vector<1x256x128xi32>
    %broadcast_in_dim3A_485 = vector.broadcast %broadcast_in_dim3A_484 : vector<1x256x128xi32> to vector<8x256x128xi32>
    %broadcast_in_dim3A_486 = vector.broadcast %jit3A_483 : i32 to vector<8x256x128xi32>
    %select_n3A_487 = arith.select %eq3A_482, %broadcast_in_dim3A_485, %broadcast_in_dim3A_486 : vector<8x256x128xi1>, vector<8x256x128xi32>
    %reduce_min3A_488 = arith.constant dense<2147483647> : vector<8x256xi32>
    %reduce_min3A_489 = vector.multi_reduction <minsi>, %select_n3A_487, %reduce_min3A_488 [2] : vector<8x256x128xi32> to vector<8x256xi32>
    %broadcast_in_dim3A_490 = vector.shape_cast %reduce_min3A_489 : vector<8x256xi32> to vector<8x256x1xi32>
    %reduce_min3A_491 = arith.constant dense<2147483647> : vector<8x1xi32>
    %reduce_min3A_492 = vector.multi_reduction <minsi>, %broadcast_in_dim3A_490, %reduce_min3A_491 [1] : vector<8x256x1xi32> to vector<8x1xi32>
    %broadcast_in_dim3A_493 = vector.shape_cast %reduce_min3A_492 : vector<8x1xi32> to vector<8x1x1xi32>
    %eq3A_494 = arith.constant 14 : i32
    %eq3A_495 = vector.broadcast %eq3A_494 : i32 to vector<8x1x16xi32>
    %eq3A_496 = arith.cmpi eq, %iota3A_28, %eq3A_495 : vector<8x1x16xi32>
    %add3A_497 = arith.addi %mul3A_27, %broadcast_in_dim3A_493 : vector<8x1x1xi32>
    %broadcast_in_dim3A_498 = vector.shape_cast %add3A_497 : vector<8x1x1xi32> to vector<8x1x1xi32>
    %broadcast_in_dim3A_499 = vector.broadcast %broadcast_in_dim3A_498 : vector<8x1x1xi32> to vector<8x1x16xi32>
    %select_n3A_500 = arith.select %eq3A_496, %broadcast_in_dim3A_499, %select_n3A_468 : vector<8x1x16xi1>, vector<8x1x16xi32>
    %eq3A_501 = vector.broadcast %add3A : vector<1x256x128xi32> to vector<8x256x128xi32>
    %eq3A_502 = vector.broadcast %broadcast_in_dim3A_493 : vector<8x1x1xi32> to vector<8x256x128xi32>
    %eq3A_503 = arith.cmpi eq, %eq3A_501, %eq3A_502 : vector<8x256x128xi32>
    %jit3A_504 = arith.constant -3.000000e+38 : f32
    %broadcast_in_dim3A_505 = vector.broadcast %jit3A_504 : f32 to vector<8x256x128xf32>
    %select_n3A_506 = arith.select %eq3A_503, %broadcast_in_dim3A_505, %select_n3A_474 : vector<8x256x128xi1>, vector<8x256x128xf32>
    %reduce_max3A_507 = arith.constant dense<0xFF800000> : vector<8x256xf32>
    %reduce_max3A_508 = vector.multi_reduction <maximumf>, %select_n3A_506, %reduce_max3A_507 [2] : vector<8x256x128xf32> to vector<8x256xf32>
    %broadcast_in_dim3A_509 = vector.shape_cast %reduce_max3A_508 : vector<8x256xf32> to vector<8x256x1xf32>
    %reduce_max3A_510 = arith.constant dense<0xFF800000> : vector<8x1xf32>
    %reduce_max3A_511 = vector.multi_reduction <maximumf>, %broadcast_in_dim3A_509, %reduce_max3A_510 [1] : vector<8x256x1xf32> to vector<8x1xf32>
    %broadcast_in_dim3A_512 = vector.shape_cast %reduce_max3A_511 : vector<8x1xf32> to vector<8x1x1xf32>
    %eq3A_513 = vector.broadcast %broadcast_in_dim3A_512 : vector<8x1x1xf32> to vector<8x256x128xf32>
    %eq3A_514 = arith.cmpf oeq, %select_n3A_506, %eq3A_513 : vector<8x256x128xf32>
    %jit3A_515 = arith.constant 32768 : i32
    %broadcast_in_dim3A_516 = vector.shape_cast %add3A : vector<1x256x128xi32> to vector<1x256x128xi32>
    %broadcast_in_dim3A_517 = vector.broadcast %broadcast_in_dim3A_516 : vector<1x256x128xi32> to vector<8x256x128xi32>
    %broadcast_in_dim3A_518 = vector.broadcast %jit3A_515 : i32 to vector<8x256x128xi32>
    %select_n3A_519 = arith.select %eq3A_514, %broadcast_in_dim3A_517, %broadcast_in_dim3A_518 : vector<8x256x128xi1>, vector<8x256x128xi32>
    %reduce_min3A_520 = arith.constant dense<2147483647> : vector<8x256xi32>
    %reduce_min3A_521 = vector.multi_reduction <minsi>, %select_n3A_519, %reduce_min3A_520 [2] : vector<8x256x128xi32> to vector<8x256xi32>
    %broadcast_in_dim3A_522 = vector.shape_cast %reduce_min3A_521 : vector<8x256xi32> to vector<8x256x1xi32>
    %reduce_min3A_523 = arith.constant dense<2147483647> : vector<8x1xi32>
    %reduce_min3A_524 = vector.multi_reduction <minsi>, %broadcast_in_dim3A_522, %reduce_min3A_523 [1] : vector<8x256x1xi32> to vector<8x1xi32>
    %broadcast_in_dim3A_525 = vector.shape_cast %reduce_min3A_524 : vector<8x1xi32> to vector<8x1x1xi32>
    %eq3A_526 = arith.constant 15 : i32
    %eq3A_527 = vector.broadcast %eq3A_526 : i32 to vector<8x1x16xi32>
    %eq3A_528 = arith.cmpi eq, %iota3A_28, %eq3A_527 : vector<8x1x16xi32>
    %add3A_529 = arith.addi %mul3A_27, %broadcast_in_dim3A_525 : vector<8x1x1xi32>
    %broadcast_in_dim3A_530 = vector.shape_cast %add3A_529 : vector<8x1x1xi32> to vector<8x1x1xi32>
    %broadcast_in_dim3A_531 = vector.broadcast %broadcast_in_dim3A_530 : vector<8x1x1xi32> to vector<8x1x16xi32>
    %select_n3A_532 = arith.select %eq3A_528, %broadcast_in_dim3A_531, %select_n3A_500 : vector<8x1x16xi1>, vector<8x1x16xi32>
    %swap3A_533 = arith.constant 0 : index
    %swap3A_534 = arith.constant 0 : index
    %swap3A_535 = arith.constant 0 : index
    %swap3A_536 = vector.load %arg3[%swap3A_533, %swap3A_534, %swap3A_535] : memref<8x1x16xi32, #tpu.memory_space<vmem>>, vector<8x1x16xi32>
    tpu.vector_store %arg3[%swap3A_533, %swap3A_534, %swap3A_535], %select_n3A_532 {strides = array<i32>} : memref<8x1x16xi32, #tpu.memory_space<vmem>>, vector<8x1x16xi32>,
    return
  }
  func.func @transform_0(%arg0: i32) -> (i32, i32, i32) {
    %c0_i32 = arith.constant 0 : i32
    %c0_i32_0 = arith.constant 0 : i32
    %c0_i32_1 = arith.constant 0 : i32
    return %arg0, %c0_i32, %c0_i32_0 : i32, i32, i32
  }
  func.func @transform_1(%arg0: i32) -> (i32, i32, i32) {
    %c0_i32 = arith.constant 0 : i32
    %c0_i32_0 = arith.constant 0 : i32
    %c0_i32_1 = arith.constant 0 : i32
    return %arg0, %c0_i32, %c0_i32_0 : i32, i32, i32
  }
  func.func @transform_2(%arg0: i32) -> (i32, i32, i32) {
    %c0_i32 = arith.constant 0 : i32
    %c0_i32_0 = arith.constant 0 : i32
    %c0_i32_1 = arith.constant 0 : i32
    return %arg0, %c0_i32, %c0_i32_0 : i32, i32, i32
  }
}

module attributes {stable_mosaic.version = 14 : i64} {
  func.func @body(%arg0: memref<256x128xf32, #tpu.memory_space<vmem>>, %arg1: memref<256x1xi32, #tpu.memory_space<vmem>>, %arg2: memref<64x64xf32, #tpu.memory_space<vmem>>, %arg3: memref<1x64xf32, #tpu.memory_space<vmem>>, %arg4: memref<64x64xf32, #tpu.memory_space<vmem>>, %arg5: memref<1x64xf32, #tpu.memory_space<vmem>>, %arg6: memref<256x64xf32, #tpu.memory_space<vmem>>) attributes {dimension_semantics = [], scalar_prefetch = 0 : i64, scratch_operands = 0 : i64, tpu.core_type = #tpu.core_type<tc>} {
    %get3A = arith.constant 0 : index
    %get3A_0 = arith.constant 0 : index
    %get3A_1 = vector.load %arg0[%get3A, %get3A_0] : memref<256x128xf32, #tpu.memory_space<vmem>>, vector<256x128xf32>
    %get3A_2 = arith.constant 0 : index
    %get3A_3 = arith.constant 0 : index
    %get3A_4 = vector.load %arg1[%get3A_2, %get3A_3] : memref<256x1xi32, #tpu.memory_space<vmem>>, vector<256x1xi32>
    %gt3A = arith.constant 0 : i32
    %gt3A_5 = vector.broadcast %gt3A : i32 to vector<256x1xi32>
    %gt3A_6 = arith.cmpi sgt, %get3A_4, %gt3A_5 : vector<256x1xi32>
    %slice3A = vector.extract_strided_slice %get3A_1 {offsets = [0, 64], sizes = [256, 64], strides = [1, 1]} : vector<256x128xf32> to vector<256x64xf32>
    %slice3A_7 = vector.extract_strided_slice %get3A_1 {offsets = [0, 0], sizes = [256, 64], strides = [1, 1]} : vector<256x128xf32> to vector<256x64xf32>
    %broadcast_in_dim3A = vector.shape_cast %gt3A_6 : vector<256x1xi1> to vector<256x1xi1>
    %broadcast_in_dim3A_8 = vector.broadcast %broadcast_in_dim3A : vector<256x1xi1> to vector<256x64xi1>
    %select_n3A = arith.select %broadcast_in_dim3A_8, %slice3A, %slice3A_7 : vector<256x64xi1>, vector<256x64xf32>
    %get3A_9 = arith.constant 0 : index
    %get3A_10 = arith.constant 0 : index
    %get3A_11 = vector.load %arg2[%get3A_9, %get3A_10] : memref<64x64xf32, #tpu.memory_space<vmem>>, vector<64x64xf32>
    %dot_general3A = arith.constant dense<0.000000e+00> : vector<256x64xf32>
    %dot_general3A_12 = tpu.matmul %select_n3A, %get3A_11, %dot_general3A {dimension_numbers = #tpu.dot_dimension_numbers<[1], [0], [0], [1], [0, 0, 1, 1], [], []>, transpose_lhs_hint = false} : vector<256x64xf32>, vector<64x64xf32>, vector<256x64xf32> -> vector<256x64xf32>
    %get3A_13 = arith.constant 0 : index
    %get3A_14 = arith.constant 0 : index
    %get3A_15 = vector.load %arg3[%get3A_13, %get3A_14] : memref<1x64xf32, #tpu.memory_space<vmem>>, vector<1x64xf32>
    %get3A_16 = vector.shape_cast %get3A_15 : vector<1x64xf32> to vector<64xf32>
    %broadcast_in_dim3A_17 = vector.shape_cast %get3A_16 : vector<64xf32> to vector<1x64xf32>
    %add3A = vector.broadcast %broadcast_in_dim3A_17 : vector<1x64xf32> to vector<256x64xf32>
    %add3A_18 = arith.addf %dot_general3A_12, %add3A : vector<256x64xf32>
    %max3A = arith.constant 0.000000e+00 : f32
    %max3A_19 = vector.broadcast %max3A : f32 to vector<256x64xf32>
    %max3A_20 = arith.maximumf %add3A_18, %max3A_19 : vector<256x64xf32>
    %get3A_21 = arith.constant 0 : index
    %get3A_22 = arith.constant 0 : index
    %get3A_23 = vector.load %arg4[%get3A_21, %get3A_22] : memref<64x64xf32, #tpu.memory_space<vmem>>, vector<64x64xf32>
    %dot_general3A_24 = arith.constant dense<0.000000e+00> : vector<256x64xf32>
    %dot_general3A_25 = tpu.matmul %max3A_20, %get3A_23, %dot_general3A_24 {dimension_numbers = #tpu.dot_dimension_numbers<[1], [0], [0], [1], [0, 0, 1, 1], [], []>, transpose_lhs_hint = false} : vector<256x64xf32>, vector<64x64xf32>, vector<256x64xf32> -> vector<256x64xf32>
    %get3A_26 = arith.constant 0 : index
    %get3A_27 = arith.constant 0 : index
    %get3A_28 = vector.load %arg5[%get3A_26, %get3A_27] : memref<1x64xf32, #tpu.memory_space<vmem>>, vector<1x64xf32>
    %get3A_29 = vector.shape_cast %get3A_28 : vector<1x64xf32> to vector<64xf32>
    %broadcast_in_dim3A_30 = vector.shape_cast %get3A_29 : vector<64xf32> to vector<1x64xf32>
    %add3A_31 = vector.broadcast %broadcast_in_dim3A_30 : vector<1x64xf32> to vector<256x64xf32>
    %add3A_32 = arith.addf %dot_general3A_25, %add3A_31 : vector<256x64xf32>
    %swap3A = arith.constant 0 : index
    %swap3A_33 = arith.constant 0 : index
    %swap3A_34 = vector.load %arg6[%swap3A, %swap3A_33] : memref<256x64xf32, #tpu.memory_space<vmem>>, vector<256x64xf32>
    tpu.vector_store %arg6[%swap3A, %swap3A_33], %add3A_32 {strides = array<i32>} : memref<256x64xf32, #tpu.memory_space<vmem>>, vector<256x64xf32>,
    return
  }
}

</mosaic_0001>

<sc_bundles>
// kernel: kernel.6.cloned.1.call-start
scs
__scs_entry_jumppad:
0x0: {  	(pc) =	sbr.rel $0x88, $3  }
0x1: {  	(tag) =	ssettag $0x0;
	lr =	simm.s32 $0x1  }
0x2: {  	[smem:$0x3F9A] =	sst lr;
	_ =	strace $0xD0000000  }
0x3: {  	_ = 	snop  }
0x4: {  	_ = 	snop  }
0x5: {  	_ = 	snop  }
0x6: {  	_ = 	snop  }
0x7: {  	_ = 	snop  }
__scs_overlays_trampoline_lowered:
0x8: {  	[smem:$0x3FA9] =	sst s0  }
0x9: {  	[smem:$0x3FAA] =	sst s1  }
0xa: {  	[smem:$0x3FAB] =	sst s2  }
0xb: {  	[smem:$0x3FAC] =	sst s3  }
0xc: {  	[smem:$0x3FAD] =	sst s4  }
0xd: {  	[smem:$0x3FAE] =	sst s5  }
0xe: {  	[smem:$0x3FAF] =	sst s6  }
0xf: {  	[smem:$0x3FB0] =	sst s7  }
0x10: {  	[smem:$0x3FB1] =	sst s8  }
0x11: {  	[smem:$0x3FB2] =	sst s9;
	s0 =	simm.s32 @!p0 $0x0  }
0x12: {  	s1 =	sld [smem:$0x3F98];
	s0 =	simm.s32 @p0 $0x1  }
0x13: {  	[smem:$0x3FB3] =	sst s0;
	s0 =	simm.s32 @!p1 $0x0  }
0x14: {  	s2 =	sld [smem:$0x3F97];
	s0 =	simm.s32 @p1 $0x1  }
0x15: {  	[smem:$0x3FB4] =	sst s0;
	s0 =	simm.s32 @!p2 $0x0  }
0x16: {  	s3 =	sld [smem:$0x3FDB];
	s0 =	simm.s32 @p2 $0x1  }
0x17: {  	s4 =	simm.s32 $0x1BF5;
	[smem:$0x3FB6] =	sst s0  }
0x18: {  	s0 =	sld [smem:$0x3F99];
	_ =	swait.ge [sflag:s4], $0x0  }
0x19: {  	s7 =	sld [smem:$0x3F9A]  }
0x1a: {  	s8 =	sadd.s32 $0xFFFFE003, lr  }
0x1b: {  	s9 =	sadd.s32 $0xFFFFFEF7, lr;
	s5 =	simm.s32 $0xFFFFFFFF;
	p2 =	slt.u32 s8, $0xFFFFF086  }
0x1c: {  	p1 =	slt.u32 s9, $0xF7A;
	s5 =	simm.s32 @!p2 $0x0  }
0x1d: {  	s5 =	simm.s32 @p1 $0x1;
	p0 =	seq.s32 s7, s2  }
0x1e: {  	s7 =	smul.u32 @!p0 $0xF7A, s2;
	p2 =	seq.s32 @!p0 s5, $0x0  }
0x1f: {  	s9 =	smul.u32 $0xF7A, s1;
	s8 =	simm.s32 @!p0 $0x1BF5;
	p2 =	por !p2, p0  }
0x20: {  	[sflag:s8] =	ssyncset.s32 @!p0 $0xFFFFF086;
	s6 =	sadd.s32 @!p0 s3, s7;
	s7 =	simm.s32 @!p0 $0x108  }
0x21: {  	s3 =	sadd.s32 s3, s9;
	s6 =	sadd.s32 @!p0 $0x88, s6;
	s7 =	simm.s32 @p2 $0x1082  }
0x22: {  	[simem:s7], [sflag:s8] =	dma.local @!p0 [hbm:s6], $0xF7A  }
0x23: {  	s9 =	sor.u32 $0xD0000000, s2;
	s6 =	simm.s32 $0x108;
	_ =	swait.ge @!p0 [sflag:s8], $0x0  }
0x24: {  	s3 =	sadd.s32 $0x88, s3;
	s6 =	simm.s32 @!p1 $0x1082;
	[sflag:s4] =	ssyncset.s32 $0xFFFFF086  }
0x25: {  	[simem:s6], [sflag:s4] =	dma.local [hbm:s3], $0xF7A  }
0x26: {  	[smem:$0x3F9A] =	sst s1;
	(tag) =	ssettag s2;
	_ =	strace s9  }
0x27: {  	s1 =	sld [smem:$0x3FAA]  }
0x28: {  	s2 =	sld [smem:$0x3FAB]  }
0x29: {  	s4 =	sld [smem:$0x3FAD]  }
0x2a: {  	p0 =	seq.s32 s5, $0x0;
	s5 =	sld [smem:$0x3FAE]  }
0x2b: {  	s6 =	sld [smem:$0x3FAF]  }
0x2c: {  	s7 =	sld [smem:$0x3FB0]  }
0x2d: {  	s3 =	simm.s32 $0x108;
	s8 =	sld [smem:$0x3FB1]  }
0x2e: {  	s3 =	simm.s32 @!p0 $0x1082;
	s9 =	sld [smem:$0x3FB2]  }
0x2f: {  	lr =	sadd.s32 s0, s3;
	s0 =	sld [smem:$0x3FA9]  }
0x30: {  	s3 =	sld [smem:$0x3FAC]  }
0x31: {  	[smem:$0x3FB5] =	sst s10  }
0x32: {  	s10 =	sld [smem:$0x3FB3];
	_ =	sdelay $0x3  }
0x33: {  	p0 =	seq.s32 s10, $0x1;
	s10 =	sld [smem:$0x3FB5];
	_ =	sdelay $0x3  }
0x34: {  	[smem:$0x3FB5] =	sst s10  }
0x35: {  	s10 =	sld [smem:$0x3FB4];
	_ =	sdelay $0x3  }
0x36: {  	p1 =	seq.s32 s10, $0x1;
	s10 =	sld [smem:$0x3FB5];
	_ =	sdelay $0x3  }
0x37: {  	[smem:$0x3FB5] =	sst s10  }
0x38: {  	s10 =	sld [smem:$0x3FB6]  }
0x39: {  	_ = 	snop;
	(pc) =	sbr.ind lr, $3  }
0x3a: {  	_ = 	snop  }
0x3b: {  	_ = 	snop  }
0x3c: {  	p2 =	seq.s32 s10, $0x1;
	s10 =	sld [smem:$0x3FB5]  }
0x3d: {  	_ =	shalt  }
0x3e: {  	_ =	shalt  }
0x3f: {  	_ =	shalt  }
0x40: {  	_ =	shalt  }
0x41: {  	_ =	shalt  }
0x42: {  	_ =	shalt  }
0x43: {  	_ =	shalt  }
0x44: {  	_ =	shalt  }
0x45: {  	_ =	shalt  }
0x46: {  	_ =	shalt  }
0x47: {  	_ =	shalt  }
0x48: {  	_ =	shalt  }
0x49: {  	_ =	shalt  }
0x4a: {  	_ =	shalt  }
0x4b: {  	_ =	shalt  }
0x4c: {  	_ =	shalt  }
0x4d: {  	_ =	shalt  }
0x4e: {  	_ =	shalt  }
0x4f: {  	_ =	shalt  }
0x50: {  	_ =	shalt  }
0x51: {  	_ =	shalt  }
0x52: {  	_ =	shalt  }
0x53: {  	_ =	shalt  }
0x54: {  	_ =	shalt  }
0x55: {  	_ =	shalt  }
0x56: {  	_ =	shalt  }
0x57: {  	_ =	shalt  }
0x58: {  	_ =	shalt  }
0x59: {  	_ =	shalt  }
0x5a: {  	_ =	shalt  }
0x5b: {  	_ =	shalt  }
0x5c: {  	_ =	shalt  }
0x5d: {  	_ =	shalt  }
0x5e: {  	_ =	shalt  }
0x5f: {  	_ =	shalt  }
0x60: {  	_ =	shalt  }
0x61: {  	_ =	shalt  }
0x62: {  	_ =	shalt  }
0x63: {  	_ =	shalt  }
0x64: {  	_ =	shalt  }
0x65: {  	_ =	shalt  }
0x66: {  	_ =	shalt  }
0x67: {  	_ =	shalt  }
0x68: {  	_ =	shalt  }
0x69: {  	_ =	shalt  }
0x6a: {  	_ =	shalt  }
0x6b: {  	_ =	shalt  }
0x6c: {  	_ =	shalt  }
0x6d: {  	_ =	shalt  }
0x6e: {  	_ =	shalt  }
0x6f: {  	_ =	shalt  }
0x70: {  	_ =	shalt  }
0x71: {  	_ =	shalt  }
0x72: {  	_ =	shalt  }
0x73: {  	_ =	shalt  }
0x74: {  	_ =	shalt  }
0x75: {  	_ =	shalt  }
0x76: {  	_ =	shalt  }
0x77: {  	_ =	shalt  }
0x78: {  	_ =	shalt  }
0x79: {  	_ =	shalt  }
0x7a: {  	_ =	shalt  }
0x7b: {  	_ =	shalt  }
0x7c: {  	_ =	shalt  }
0x7d: {  	_ =	shalt  }
0x7e: {  	_ =	shalt  }
0x7f: {  	_ =	shalt  }
0x80: {  	_ =	shalt  }
0x81: {  	_ =	shalt  }
0x82: {  	_ =	shalt  }
0x83: {  	_ =	shalt  }
0x84: {  	_ =	shalt  }
0x85: {  	_ =	shalt  }
0x86: {  	_ =	shalt  }
0x87: {  	_ =	shalt  }
.Lfunc_end0:
.L_simem_size_0:
called_computation_lowered:
.L_overlay_start_0:
0x88: {  	s2 =	sld [smem:$0x3FD9]  }
0x89: {  	s3 =	sld [smem:$0x3FFE];
	_ =	sdelay $0x1  }
0x8a: {  	s1 =	srdreg.scid  }
0x8b: {  	s0 =	sand.u32 $0x1, s1  }
0x8c: {  	s14 =	sshll.u32 s0, $0xA;
	s2 =	sadd.s32 s3, s2  }
0x8d: {  	s2 =	sadd.s32 s2, s14  }
0x8e: {  	[smem:$0x3FC1] =	sst s2  }
0x8f: {  	_ = 	snop  }
0x90: {  	s2 =	sld [smem:$0x3FD0];
	_ =	sdelay $0x2  }
0x91: {  	s15 =	simm.s32 $0xA;
	s4 =	simm.s32 $0x10  }
0x92: {  	[smem:s4], [sflag:s15] =	dma.local [hbm:s2], $0x1  }
0x93: {  	_ =	swait.eq [sflag:s15], $0x1  }
0x94: {  	[sflag:s15] =	ssyncset.done $0x0  }
0x95: {  	[sflag:s15] =	ssyncadd.s32 $0xFFFFFFFF  }
0x96: {  	s16 =	sld [smem:$0x10];
	(tm) =	ssettm $0x1  }
0x97: {  	s17 =	sld [smem:$0x3FFB];
	_ =	sdelay $0x3  }
0x98: {  	_ =	strace s17  }
0x99: {  	s3 =	sld [smem:$0x3FFC];
	_ =	sdelay $0x3  }
0x9a: {  	_ =	strace s3  }
0x9b: {  	s3 =	sld [smem:$0x3FFD];
	_ =	sdelay $0x3  }
0x9c: {  	_ =	strace s3  }
0x9d: {  	_ =	strace $0x8FFFFFFF  }
0x9e: {  	s18 =	sld [smem:$0x3FDB];
	_ =	sdelay $0x1  }
0x9f: {  	s19 =	simm.s32 $_scs_section_size  }
0xa0: {  	s5 =	simm.s32 $_size__tile_overlayer_lowered;
	s6 =	simm.s32 $_tile_overlayer_lowered  }
0xa1: {  	s22 =	simm.s32 $0x1BFF;
	s21 =	sshll.u32 s6, $0x1;
	s3 =	sadd.s32 s19, s18  }
0xa2: {  	s7 =	simm.s32 $0x0;
	s20 =	sshll.u32 s5, $0x1;
	s5 =	sadd.s32 s21, s3  }
0xa3: {  	[timem:s7], [sflag:s22] =	dma.local [hbm:s5], s20  }
0xa4: {  	_ =	swait.ge [sflag:s22], s20  }
0xa5: {  	s4 =	ssub.s32 $0x0, s20;
	[sflag:s22] =	ssyncset.done $0x0  }
0xa6: {  	[sflag:s22] =	ssyncadd.s32 s4;
	_ =	sdelay $0x1  }
0xa7: {  	s23 =	simm.s32 $0x1B8B  }
0xa8: {  	_ =	swait.ge [sflag:s23], $0x1  }
0xa9: {  	[sflag:s23] =	ssyncset.done $0x0  }
0xaa: {  	s25 =	simm.s32 $0x1B8E;
	s24 =	sld [smem:$0x3FFE];
	[sflag:s23] =	ssyncadd.s32 $0xFFFFFFFF  }
0xab: {  	s26 =	simm.s32 $execute0_lowered;
	[smem:$0x3FD2] =	sst s25  }
0xac: {  	s5 =	sshll.u32 s26, $0x1;
	_ =	strace $0x80000046;
	[dreg:$0x1] =	wrdreg $0xFFFFFFFF  }
0xad: {  	s28 =	simm.s32 $_size_execute0_lowered;
	s3 =	sadd.s32 s3, s5;
	[dreg:$0x0] =	wrdreg $0x0  }
0xae: {  	s5 =	sshll.u32 s28, $0x1;
	[dreg:$0x2] =	wrdreg s3  }
0xaf: {  	[dreg:$0x3] =	wrdreg s5  }
0xb0: {  	[dreg:$0x4] =	wrdreg $0xC0  }
0xb1: {  	_ =	task [dreg:s7], $0x5FFFF  }
0xb2: {  	[dreg:$0x1] =	wrdreg $0xFFFFFFFF  }
0xb3: {  	[dreg:$0x0] =	wrdreg $0x60  }
0xb4: {  	[dreg:$0x2] =	wrdreg s24  }
0xb5: {  	[dreg:$0x3] =	wrdreg s16  }
0xb6: {  	[dreg:$0x4] =	wrdreg $0x9  }
0xb7: {  	_ =	task.clear_ibuf [dreg:s7], $0x5FFFF;
	_ =	strace $0x90000046  }
0xb8: {  	s29 =	simm.s32 $0x9;
	_ =	strace $0x80000048  }
0xb9: {  	_ =	swait.ge [sflag:s29], $0x1  }
0xba: {  	[sflag:s29] =	ssyncadd.s32 $0xFFFFFFFF  }
0xbb: {  	_ =	strace $0x90000048  }
0xbc: {  	_ =	sfence  }
0xbd: {  	s30 =	sld [smem:$0x0];
	_ =	sdelay $0x2  }
0xbe: {  	s31 =	sshll.u32 s1, $0xD;
	s1 =	sshrl.u32 s1, $0x2  }
0xbf: {  	s3 =	sand.u32 $0x4000, s31;
	s1 =	sadd.s32 s1, s30  }
0xc0: {  	s0 =	sor.u32 s3, s0;
	s1 =	sshll.u32 s1, $0x11  }
0xc1: {  	s0 =	sor.u32 s1, s0  }
0xc2: {  	s0 =	sadd.s32 $0x8F2B, s0  }
0xc3: {  	[sflag:s0] =	ssyncadd.remote.s32 $0x1  }
0xc4: {  	_ =	sfence.sel $0xFFFF  }
0xc5: {  	[dreg:$0x0] =	wrdreg $0xFFFFFFFF;
	(pc) =	sbr.abs _section_cstart, $3  }
0xc6: {  	[dreg:$0x1] =	wrdreg $0xFFFFFFFF  }
0xc7: {  	_ =	task.clear_ibuf [dreg:s7], $0x2FFFF;
	_ =	strace $0x9FFFFFFF  }
0xc8: {  	(tm) =	ssettm $0x7FFFFFFF  }
0xc9: {  	_ =	shalt  }
tec
execute0_lowered:
.L_overlay_start_1:
0x0: {  	(tag) =	ssettag $0x1  }
0x1: {  	s1 =	srdreg.scid  }
0x2: {  	s0 =	stileid.u32;
	s6 =	sand.u32 $0x1, s1  }
0x3: {  	s5 =	rddreg [dreg:$0x0];
	s30 =	sshll.u32 s0, $0x4;
	s2 =	sshll.u32 s6, $0x3  }
0x4: {  	s9 =	rddreg [dreg:$0x1];
	s7 =	simm.s32 $0x80;
	s10 =	sor.u32 s2, s30  }
0x5: {  	s1 =	rddreg [dreg:$0x2];
	s2 =	simm.s32 $0x0;
	s3 =	sshrl.u32 s10, $0x3  }
0x6: {  	s11 =	ssub.s32 $0x2, s6;
	[smem:$0x7FF] =	sst s2;
	s3 =	sadd.s32 s3, s5  }
0x7: {  	_ =	strace $0x80000047;
	s4 =	sadd.s32 $0x1200, s3;
	s3 =	simm.s32 $0x2  }
0x8: {  	[tilespmem:s2], [sflag:$0x2] =	stream.linear.gather [hbm4b:s4+s2], $0x8, $0x38;
	[tilespmem:$0x480] =	vst v63  }
0x9: {  	s8 =	simm.s32 $0x1;
	s12 =	sshrl.u32 s11, $0x1;
	_ =	swait.ge [sflag:s3], $0x8  }
0xa: {  	s6 =	simm.s32 $0x8;
	s11 =	ssub.s32 s11, s12;
	[sflag:s3] =	ssyncset.done $0x0  }
0xb: {  	s5 =	sadd.s32 $0x801200, s5;
	s31 =	smax.u32 s11, $0x1;
	[sflag:s3] =	ssyncadd.s32 $0xFFFFFFF8  }
0xc: {  	[tilespmem:s7], [sflag:$0x1] =	stream.indirect.gather [hbm4b:s5+s6], $0x80, s2, s6, $0xb8;
	[tilespmem:$0x480] =	vst v63  }
0xd: {  	p0 =	sne.s32 s31, $0x1;
	_ =	swait.ge [sflag:s8], $0x400  }
.Ltmp0:
0xe: {  	s10 =	sshll.u32 s10, $0x4;
	[sflag:s8] =	ssyncset.done $0x0;
	(pc) =	sbr.rel @!p0 .LBB2_2-.Ltmp0, $4  }
0xf: {  	s9 =	sadd.s32 s9, s10;
	[sflag:s8] =	ssyncadd.s32 $0xFFFFFC00  }
0x10: {  	[hbm4b:s9+s2] =	stream.linear.scatter [tilespmem:s7], [sflag:$0x2], $0x400, $0x38;
	[tilespmem:$0x480] =	vst v63  }
0x11: {  	_ =	swait.ge [sflag:s3], $0x400  }
0x12: {  	s10 =	sadd.s32 $0xFFFFFFFF, s31;
	[sflag:s3] =	ssyncset.done $0x0  }
.LBB2_1:
0x13: {  	p0 =	sne.s32 s10, $0x1;
	s10 =	sadd.s32 $0xFFFFFFFF, s10;
	[sflag:s3] =	ssyncadd.s32 $0xFFFFFC00  }
0x14: {  	[tilespmem:s2], [sflag:$0x2] =	stream.linear.gather [hbm4b:s4+s2], $0x8, $0x38;
	[tilespmem:$0x480] =	vst v63  }
0x15: {  	_ =	swait.ge [sflag:s3], $0x8  }
0x16: {  	[sflag:s3] =	ssyncset.done $0x0  }
0x17: {  	[sflag:s3] =	ssyncadd.s32 $0xFFFFFFF8  }
0x18: {  	[tilespmem:s7], [sflag:$0x1] =	stream.indirect.gather [hbm4b:s5+s6], $0x80, s2, s6, $0xb8;
	[tilespmem:$0x480] =	vst v63  }
0x19: {  	_ =	swait.ge [sflag:s8], $0x400  }
.Ltmp1:
0x1a: {  	[sflag:s8] =	ssyncset.done $0x0;
	(pc) =	sbr.rel @p0 .LBB2_1-.Ltmp1, $4  }
0x1b: {  	[sflag:s8] =	ssyncadd.s32 $0xFFFFFC00  }
0x1c: {  	[hbm4b:s9+s2] =	stream.linear.scatter [tilespmem:s7], [sflag:$0x2], $0x400, $0x38;
	[tilespmem:$0x480] =	vst v63  }
0x1d: {  	_ =	swait.ge [sflag:s3], $0x400  }
0x1e: {  	[sflag:s3] =	ssyncset.done $0x0  }
.LBB2_2:
0x1f: {  	[sflag:s3] =	ssyncadd.s32 $0xFFFFFC00  }
0x20: {  	_ =	sfence.sel $0x180000  }
0x21: {  	[bflag:$0x0] =	sbarrier.arrive $0xFFFF  }
0x22: {  	p0 =	sne.s32 s0, $0x0;
	_ =	strace $0x90000047  }
0x23: {  	s0 =	sadd.s32 @!p0 $0x100000, s1;
	[bflag:$0x2] =	sbarrier.arrive $0xFFFF  }
0x24: {  	[sflag:s0] =	ssyncadd.tile.s32 @!p0 $0x1;
	_ =	shalt  }
.Lfunc_end2:
_tile_overlayer_lowered:
.L_overlay_start_2:
0x25: {  	(tag) =	ssettag $0x2  }
0x26: {  	s0 =	rddreg [dreg:$0x0];
	s2 =	stileid.u32  }
0x27: {  	s1 =	rddreg [dreg:$0x1];
	p0 =	sne.s32 s2, $0x0  }
0x28: {  	s3 =	rddreg [dreg:$0x2];
	[bflag:$0x3] =	sbarrier.arrive $0xFFFF;
	s2 =	simm.s32 @!p0 $0x1C02  }
0x29: {  	[timem:s3], [sflag:s2] =	dma.local @!p0 [hbm:s0], s1  }
0x2a: {  	s0 =	simm.s32 @!p0 $0x2  }
0x2b: {  	_ =	swait.ge @!p0 [sflag:s0], s1  }
0x2c: {  	s1 =	ssub.s32 @!p0 $0x0, s1;
	[sflag:s0] =	ssyncset.done @!p0 $0x0  }
0x2d: {  	[sflag:s0] =	ssyncadd.s32 @!p0 s1  }
0x2e: {  	[bflag:$0x3] =	sbarrier.arrive $0xFFFF  }
0x2f: {  	_ =	shalt  }

</sc_bundles>
